<compile_context>
chip_gen: v7x
topology: tpu7x:2x2x1
jax: 0.10.2.dev20260603
libtpu: 0.0.44.dev20260713+nightly
codegen_flags: <defaults>
</compile_context>

<pallas_src>
import jax
import jax.numpy as jnp
from jax import lax
from jax.experimental import pallas as pl
from jax.experimental.pallas import tpu as pltpu
from jax.experimental.pallas import tpu_sc as plsc

E = 320000
D = 128
NC, NS = 2, 16
NW = NC * NS
PER_W = E // NW
CHUNK = 80
NCHUNK = PER_W // CHUNK
GROUPS = CHUNK // 16
W = D // 2
UNROLL = 8
NBUF = 4


def _body(xu_hbm, xm_hbm, uidx_hbm, midx_hbm, out_hbm,
          uidx_v, midx_v, out_v, ru_v, rm_v, *sems):
    sem_u = sems[:NBUF]
    sem_m = sems[NBUF:]
    wid = lax.axis_index("s") * NC + lax.axis_index("c")
    base = wid * PER_W
    pltpu.sync_copy(uidx_hbm.at[pl.ds(base, PER_W)], uidx_v)
    pltpu.sync_copy(midx_hbm.at[pl.ds(base, PER_W)], midx_v)

    lane = lax.iota(jnp.int32, 16)
    l16 = lane * 16

    def issue(c, b):
        off = c * CHUNK
        pltpu.async_copy(xu_hbm.at[uidx_v.at[pl.ds(off, CHUNK)]],
                         ru_v.at[pl.ds(b * CHUNK, CHUNK)], sem_u[b])
        pltpu.async_copy(xm_hbm.at[midx_v.at[pl.ds(off, CHUNK)]],
                         rm_v.at[pl.ds(b * CHUNK, CHUNK)], sem_m[b])

    def wait_slot(b):
        pltpu.make_async_copy(xu_hbm.at[uidx_v.at[pl.ds(0, CHUNK)]],
                              ru_v.at[pl.ds(b * CHUNK, CHUNK)], sem_u[b]).wait()
        pltpu.make_async_copy(xm_hbm.at[uidx_v.at[pl.ds(0, CHUNK)]],
                              rm_v.at[pl.ds(b * CHUNK, CHUNK)], sem_m[b]).wait()

    def compute(c, b):
        def group_body(g, _):
            e_vec = b * CHUNK + g * 16 + lane

            def w_body(wi, carry):
                acc0, acc1, wv = carry
                for j in range(UNROLL):
                    a = wv + j
                    gu = plsc.load_gather(ru_v, [e_vec, a])
                    gm = plsc.load_gather(rm_v, [e_vec, a])
                    u0, u1 = plsc.unpack(plsc.bitcast(gu, jnp.bfloat16),
                                         format=plsc.PackFormat.INTERLEAVED)
                    m0, m1 = plsc.unpack(plsc.bitcast(gm, jnp.bfloat16),
                                         format=plsc.PackFormat.INTERLEAVED)
                    acc0 = acc0 + u0 * m0
                    acc1 = acc1 + u1 * m1
                return acc0, acc1, wv + UNROLL

            acc0, acc1, _ = lax.fori_loop(
                0, W // UNROLL, w_body,
                (jnp.zeros((16,), jnp.float32), jnp.zeros((16,), jnp.float32),
                 jnp.zeros((16,), jnp.int32)))
            out_v[pl.ds(c * CHUNK + g * 16, 16)] = acc0 + acc1
            return 0

        lax.fori_loop(0, GROUPS, group_body, 0)

    for b in range(NBUF):
        issue(b, b)

    def t_body(t, _):
        for b in range(NBUF):
            c = t * NBUF + b
            wait_slot(b)
            compute(c, b)

            @pl.when(c + NBUF < NCHUNK)
            def _():
                issue(c + NBUF, b)
        return 0

    lax.fori_loop(0, NCHUNK // NBUF, t_body, 0)
    for c in range(NCHUNK - NCHUNK % NBUF, NCHUNK):
        wait_slot(c % NBUF)
        compute(c, c % NBUF)

    pltpu.sync_copy(out_v, out_hbm.at[pl.ds(base, PER_W)])


def _pack_body(xu_ref, xm_ref, ou_ref, om_ref):
    for x_ref, o_ref in ((xu_ref, ou_ref), (xm_ref, om_ref)):
        bits = jax.lax.bitcast_convert_type(x_ref[...], jnp.uint32)
        rnd = (bits + 0x7FFF + ((bits >> 16) & 1)) >> 16
        word = rnd[:, :W] | (rnd[:, W:] << 16)
        o_ref[...] = jax.lax.bitcast_convert_type(word, jnp.int32)


def _pack2(xu, xm):
    n = xu.shape[0]
    bl = 10000
    return pl.pallas_call(
        _pack_body,
        out_shape=(jax.ShapeDtypeStruct((n, W), jnp.int32),
                   jax.ShapeDtypeStruct((n, W), jnp.int32)),
        grid=(n // bl,),
        in_specs=[pl.BlockSpec((bl, D), lambda i: (i, 0)),
                  pl.BlockSpec((bl, D), lambda i: (i, 0))],
        out_specs=(pl.BlockSpec((bl, W), lambda i: (i, 0)),
                   pl.BlockSpec((bl, W), lambda i: (i, 0))),
    )(xu, xm)


@jax.jit
def _scores(xu_b, xm_b, u_idx, m_idx):
    mesh = plsc.VectorSubcoreMesh(core_axis_name="c", subcore_axis_name="s")
    return pl.kernel(
        _body,
        out_type=jax.ShapeDtypeStruct((E,), jnp.float32),
        mesh=mesh,
        compiler_params=pltpu.CompilerParams(needs_layout_passes=False, use_tc_tiling_on_sc=False),
        scratch_types=[
            pltpu.VMEM((PER_W,), jnp.int32),
            pltpu.VMEM((PER_W,), jnp.int32),
            pltpu.VMEM((PER_W,), jnp.float32),
            pltpu.VMEM((NBUF * CHUNK, W), jnp.int32),
            pltpu.VMEM((NBUF * CHUNK, W), jnp.int32),
        ] + [pltpu.SemaphoreType.DMA] * (2 * NBUF),
    )(xu_b, xm_b, u_idx, m_idx)


def kernel(x_user, x_movie, edge_label_index):
    xu_b, xm_b = _pack2(x_user, x_movie)
    u_idx = edge_label_index[0]
    m_idx = edge_label_index[1]
    return _scores(xu_b, xm_b, u_idx, m_idx)

# --- scband reference (transcript-rebuilt; emitter-appended) ---
"""Pipeline reference for scband-link-classifier-33432025432296 (READ-ONLY COPY).

The authoritative reference and input builder live on the scoring server;
editing this copy changes nothing except your own understanding.
"""

import jax, jax.numpy as jnp
import numpy as np


def setup_inputs(seed: int = 0) -> dict:
    key = jax.random.key(seed)
    k1, k2, k3 = jax.random.split(key, 3)
    x_user = jax.random.normal(k1, (100000, 128), dtype=jnp.float32)
    x_movie = jax.random.normal(k2, (100000, 128), dtype=jnp.float32)
    edge_label_index = jax.random.randint(k3, (2, 320000), 0, 100000, dtype=jnp.int64 if jax.config.jax_enable_x64 else jnp.int32).astype(jnp.int32)
    return {"x_user": x_user, "x_movie": x_movie, "edge_label_index": edge_label_index}


def reference(x_user, x_movie, edge_label_index):
    # gather per-edge user and movie embeddings (SparseCore-style gather)
    edge_feat_user = jnp.take(x_user, edge_label_index[0], axis=0)
    edge_feat_movie = jnp.take(x_movie, edge_label_index[1], axis=0)
    return (edge_feat_user * edge_feat_movie).sum(axis=-1)

if __name__ == "__main__":
    import jax
    _d = setup_inputs()
    print(jax.jit(kernel)(*tuple(_d.values())))

</pallas_src>

<mosaic_0001>
#map = affine_map<(d0, d1) -> (0, 0)>
#map1 = affine_map<(d0, d1) -> (0)>
module attributes {stable_mosaic.version = 14 : i64} {
  func.func @_body(%arg0: i32, %arg1: i32, %arg2: memref<100000x64xi32, #tpu.memory_space<hbm>>, %arg3: memref<100000x64xi32, #tpu.memory_space<hbm>>, %arg4: memref<320000xi32, #tpu.memory_space<hbm>>, %arg5: memref<320000xi32, #tpu.memory_space<hbm>>, %arg6: memref<320000xf32, #tpu.memory_space<hbm>>, %arg7: memref<10000xi32, #tpu.memory_space<vmem>>, %arg8: memref<10000xi32, #tpu.memory_space<vmem>>, %arg9: memref<10000xf32, #tpu.memory_space<vmem>>, %arg10: memref<320x64xi32, #tpu.memory_space<vmem>>, %arg11: memref<320x64xi32, #tpu.memory_space<vmem>>, %arg12: memref<!tpu.dma_semaphore, #tpu.memory_space<semaphore_mem>>, %arg13: memref<!tpu.dma_semaphore, #tpu.memory_space<semaphore_mem>>, %arg14: memref<!tpu.dma_semaphore, #tpu.memory_space<semaphore_mem>>, %arg15: memref<!tpu.dma_semaphore, #tpu.memory_space<semaphore_mem>>, %arg16: memref<!tpu.dma_semaphore, #tpu.memory_space<semaphore_mem>>, %arg17: memref<!tpu.dma_semaphore, #tpu.memory_space<semaphore_mem>>, %arg18: memref<!tpu.dma_semaphore, #tpu.memory_space<semaphore_mem>>, %arg19: memref<!tpu.dma_semaphore, #tpu.memory_space<semaphore_mem>>) attributes {dimension_semantics = [#tpu.dimension_semantics<core_parallel>, #tpu.dimension_semantics<subcore_parallel>], iteration_bounds = array<i64: 2, 16>, scalar_prefetch = 0 : i64, scratch_operands = 13 : i64, tpu.core_type = #tpu.core_type<sc_vector_subcore>, window_params = [{transform_indices = #map}, {transform_indices = #map}, {transform_indices = #map1}, {transform_indices = #map1}, {transform_indices = #map1}]} {
    %mul3A = arith.constant 2 : i32
    %mul3A_0 = arith.muli %arg1, %mul3A : i32
    %add3A = arith.addi %mul3A_0, %arg0 : i32
    %mul3A_1 = arith.constant 10000 : i32
    %mul3A_2 = arith.muli %add3A, %mul3A_1 : i32
    "tpu.region"() ({
      %run_scoped3A = tpu.sem_alloc : memref<!tpu.dma_semaphore, #tpu.memory_space<semaphore_mem>>
      %dma_start3A_97 = tpu.memref_slice %arg4[%mul3A_2] : memref<320000xi32, #tpu.memory_space<hbm>> -> memref<10000xi32, #tpu.memory_space<hbm>>
      %dma_start3A_98 = tpu.memref_slice %arg4[%mul3A_2] : memref<320000xi32, #tpu.memory_space<hbm>> -> memref<10000xi32, #tpu.memory_space<hbm>>
      tpu.enqueue_dma source(%dma_start3A_98 : memref<10000xi32, #tpu.memory_space<hbm>>) target(%arg7 : memref<10000xi32, #tpu.memory_space<vmem>>) target_semaphore(%run_scoped3A : memref<!tpu.dma_semaphore, #tpu.memory_space<semaphore_mem>>)
      %dma_wait3A_99 = tpu.memref_slice %arg4[%mul3A_2] : memref<320000xi32, #tpu.memory_space<hbm>> -> memref<10000xi32, #tpu.memory_space<hbm>>
      %dma_wait3A_100 = tpu.memref_slice %arg4[%mul3A_2] : memref<320000xi32, #tpu.memory_space<hbm>> -> memref<10000xi32, #tpu.memory_space<hbm>>
      tpu.wait_dma2 semaphore(%run_scoped3A : memref<!tpu.dma_semaphore, #tpu.memory_space<semaphore_mem>>) src(%dma_wait3A_100 : memref<10000xi32, #tpu.memory_space<hbm>>) dst(%arg7 : memref<10000xi32, #tpu.memory_space<vmem>>)
      tpu.yield
    }) : () -> ()
    "tpu.region"() ({
      %run_scoped3A = tpu.sem_alloc : memref<!tpu.dma_semaphore, #tpu.memory_space<semaphore_mem>>
      %dma_start3A_97 = tpu.memref_slice %arg5[%mul3A_2] : memref<320000xi32, #tpu.memory_space<hbm>> -> memref<10000xi32, #tpu.memory_space<hbm>>
      %dma_start3A_98 = tpu.memref_slice %arg5[%mul3A_2] : memref<320000xi32, #tpu.memory_space<hbm>> -> memref<10000xi32, #tpu.memory_space<hbm>>
      tpu.enqueue_dma source(%dma_start3A_98 : memref<10000xi32, #tpu.memory_space<hbm>>) target(%arg8 : memref<10000xi32, #tpu.memory_space<vmem>>) target_semaphore(%run_scoped3A : memref<!tpu.dma_semaphore, #tpu.memory_space<semaphore_mem>>)
      %dma_wait3A_99 = tpu.memref_slice %arg5[%mul3A_2] : memref<320000xi32, #tpu.memory_space<hbm>> -> memref<10000xi32, #tpu.memory_space<hbm>>
      %dma_wait3A_100 = tpu.memref_slice %arg5[%mul3A_2] : memref<320000xi32, #tpu.memory_space<hbm>> -> memref<10000xi32, #tpu.memory_space<hbm>>
      tpu.wait_dma2 semaphore(%run_scoped3A : memref<!tpu.dma_semaphore, #tpu.memory_space<semaphore_mem>>) src(%dma_wait3A_100 : memref<10000xi32, #tpu.memory_space<hbm>>) dst(%arg8 : memref<10000xi32, #tpu.memory_space<vmem>>)
      tpu.yield
    }) : () -> ()
    %iota3A = tpu.iota {dimensions = array<i32: 0>} : vector<16xi32>
    %mul3A_3 = arith.constant 16 : i32
    %mul3A_4 = vector.broadcast %mul3A_3 : i32 to vector<16xi32>
    %mul3A_5 = arith.muli %iota3A, %mul3A_4 : vector<16xi32>
    %dma_start3A = arith.constant 0 : i32
    %dma_start3A_6 = arith.constant 0 : i32
    %dma_start3A_7 = tpu.memref_slice %arg10[%dma_start3A, %dma_start3A_6] : memref<320x64xi32, #tpu.memory_space<vmem>> -> memref<80x64xi32, #tpu.memory_space<vmem>>
    %dma_start3A_8 = arith.constant 0 : i32
    %dma_start3A_9 = tpu.memref_slice %arg7[%dma_start3A_8] : memref<10000xi32, #tpu.memory_space<vmem>> -> memref<80xi32, #tpu.memory_space<vmem>>
    %dma_start3A_10 = arith.constant 0 : i32
    %dma_start3A_11 = arith.constant 0 : i32
    %dma_start3A_12 = tpu.memref_slice %arg2[%dma_start3A_10, %dma_start3A_11] : memref<100000x64xi32, #tpu.memory_space<hbm>> -> memref<100000x64xi32, #tpu.memory_space<hbm>>
    tpu.enqueue_indirect_dma source(%dma_start3A_12 : memref<100000x64xi32, #tpu.memory_space<hbm>>) target(%dma_start3A_7 : memref<80x64xi32, #tpu.memory_space<vmem>>) offsets(%dma_start3A_9 : memref<80xi32, #tpu.memory_space<vmem>>) semaphore(%arg12 : memref<!tpu.dma_semaphore, #tpu.memory_space<semaphore_mem>>)
    %dma_start3A_13 = arith.constant 0 : i32
    %dma_start3A_14 = arith.constant 0 : i32
    %dma_start3A_15 = tpu.memref_slice %arg11[%dma_start3A_13, %dma_start3A_14] : memref<320x64xi32, #tpu.memory_space<vmem>> -> memref<80x64xi32, #tpu.memory_space<vmem>>
    %dma_start3A_16 = arith.constant 0 : i32
    %dma_start3A_17 = tpu.memref_slice %arg8[%dma_start3A_16] : memref<10000xi32, #tpu.memory_space<vmem>> -> memref<80xi32, #tpu.memory_space<vmem>>
    %dma_start3A_18 = arith.constant 0 : i32
    %dma_start3A_19 = arith.constant 0 : i32
    %dma_start3A_20 = tpu.memref_slice %arg3[%dma_start3A_18, %dma_start3A_19] : memref<100000x64xi32, #tpu.memory_space<hbm>> -> memref<100000x64xi32, #tpu.memory_space<hbm>>
    tpu.enqueue_indirect_dma source(%dma_start3A_20 : memref<100000x64xi32, #tpu.memory_space<hbm>>) target(%dma_start3A_15 : memref<80x64xi32, #tpu.memory_space<vmem>>) offsets(%dma_start3A_17 : memref<80xi32, #tpu.memory_space<vmem>>) semaphore(%arg16 : memref<!tpu.dma_semaphore, #tpu.memory_space<semaphore_mem>>)
    %dma_start3A_21 = arith.constant 80 : i32
    %dma_start3A_22 = arith.constant 0 : i32
    %dma_start3A_23 = tpu.memref_slice %arg10[%dma_start3A_21, %dma_start3A_22] : memref<320x64xi32, #tpu.memory_space<vmem>> -> memref<80x64xi32, #tpu.memory_space<vmem>>
    %dma_start3A_24 = arith.constant 80 : i32
    %dma_start3A_25 = tpu.memref_slice %arg7[%dma_start3A_24] : memref<10000xi32, #tpu.memory_space<vmem>> -> memref<80xi32, #tpu.memory_space<vmem>>
    %dma_start3A_26 = arith.constant 0 : i32
    %dma_start3A_27 = arith.constant 0 : i32
    %dma_start3A_28 = tpu.memref_slice %arg2[%dma_start3A_26, %dma_start3A_27] : memref<100000x64xi32, #tpu.memory_space<hbm>> -> memref<100000x64xi32, #tpu.memory_space<hbm>>
    tpu.enqueue_indirect_dma source(%dma_start3A_28 : memref<100000x64xi32, #tpu.memory_space<hbm>>) target(%dma_start3A_23 : memref<80x64xi32, #tpu.memory_space<vmem>>) offsets(%dma_start3A_25 : memref<80xi32, #tpu.memory_space<vmem>>) semaphore(%arg13 : memref<!tpu.dma_semaphore, #tpu.memory_space<semaphore_mem>>)
    %dma_start3A_29 = arith.constant 80 : i32
    %dma_start3A_30 = arith.constant 0 : i32
    %dma_start3A_31 = tpu.memref_slice %arg11[%dma_start3A_29, %dma_start3A_30] : memref<320x64xi32, #tpu.memory_space<vmem>> -> memref<80x64xi32, #tpu.memory_space<vmem>>
    %dma_start3A_32 = arith.constant 80 : i32
    %dma_start3A_33 = tpu.memref_slice %arg8[%dma_start3A_32] : memref<10000xi32, #tpu.memory_space<vmem>> -> memref<80xi32, #tpu.memory_space<vmem>>
    %dma_start3A_34 = arith.constant 0 : i32
    %dma_start3A_35 = arith.constant 0 : i32
    %dma_start3A_36 = tpu.memref_slice %arg3[%dma_start3A_34, %dma_start3A_35] : memref<100000x64xi32, #tpu.memory_space<hbm>> -> memref<100000x64xi32, #tpu.memory_space<hbm>>
    tpu.enqueue_indirect_dma source(%dma_start3A_36 : memref<100000x64xi32, #tpu.memory_space<hbm>>) target(%dma_start3A_31 : memref<80x64xi32, #tpu.memory_space<vmem>>) offsets(%dma_start3A_33 : memref<80xi32, #tpu.memory_space<vmem>>) semaphore(%arg17 : memref<!tpu.dma_semaphore, #tpu.memory_space<semaphore_mem>>)
    %dma_start3A_37 = arith.constant 160 : i32
    %dma_start3A_38 = arith.constant 0 : i32
    %dma_start3A_39 = tpu.memref_slice %arg10[%dma_start3A_37, %dma_start3A_38] : memref<320x64xi32, #tpu.memory_space<vmem>> -> memref<80x64xi32, #tpu.memory_space<vmem>>
    %dma_start3A_40 = arith.constant 160 : i32
    %dma_start3A_41 = tpu.memref_slice %arg7[%dma_start3A_40] : memref<10000xi32, #tpu.memory_space<vmem>> -> memref<80xi32, #tpu.memory_space<vmem>>
    %dma_start3A_42 = arith.constant 0 : i32
    %dma_start3A_43 = arith.constant 0 : i32
    %dma_start3A_44 = tpu.memref_slice %arg2[%dma_start3A_42, %dma_start3A_43] : memref<100000x64xi32, #tpu.memory_space<hbm>> -> memref<100000x64xi32, #tpu.memory_space<hbm>>
    tpu.enqueue_indirect_dma source(%dma_start3A_44 : memref<100000x64xi32, #tpu.memory_space<hbm>>) target(%dma_start3A_39 : memref<80x64xi32, #tpu.memory_space<vmem>>) offsets(%dma_start3A_41 : memref<80xi32, #tpu.memory_space<vmem>>) semaphore(%arg14 : memref<!tpu.dma_semaphore, #tpu.memory_space<semaphore_mem>>)
    %dma_start3A_45 = arith.constant 160 : i32
    %dma_start3A_46 = arith.constant 0 : i32
    %dma_start3A_47 = tpu.memref_slice %arg11[%dma_start3A_45, %dma_start3A_46] : memref<320x64xi32, #tpu.memory_space<vmem>> -> memref<80x64xi32, #tpu.memory_space<vmem>>
    %dma_start3A_48 = arith.constant 160 : i32
    %dma_start3A_49 = tpu.memref_slice %arg8[%dma_start3A_48] : memref<10000xi32, #tpu.memory_space<vmem>> -> memref<80xi32, #tpu.memory_space<vmem>>
    %dma_start3A_50 = arith.constant 0 : i32
    %dma_start3A_51 = arith.constant 0 : i32
    %dma_start3A_52 = tpu.memref_slice %arg3[%dma_start3A_50, %dma_start3A_51] : memref<100000x64xi32, #tpu.memory_space<hbm>> -> memref<100000x64xi32, #tpu.memory_space<hbm>>
    tpu.enqueue_indirect_dma source(%dma_start3A_52 : memref<100000x64xi32, #tpu.memory_space<hbm>>) target(%dma_start3A_47 : memref<80x64xi32, #tpu.memory_space<vmem>>) offsets(%dma_start3A_49 : memref<80xi32, #tpu.memory_space<vmem>>) semaphore(%arg18 : memref<!tpu.dma_semaphore, #tpu.memory_space<semaphore_mem>>)
    %dma_start3A_53 = arith.constant 240 : i32
    %dma_start3A_54 = arith.constant 0 : i32
    %dma_start3A_55 = tpu.memref_slice %arg10[%dma_start3A_53, %dma_start3A_54] : memref<320x64xi32, #tpu.memory_space<vmem>> -> memref<80x64xi32, #tpu.memory_space<vmem>>
    %dma_start3A_56 = arith.constant 240 : i32
    %dma_start3A_57 = tpu.memref_slice %arg7[%dma_start3A_56] : memref<10000xi32, #tpu.memory_space<vmem>> -> memref<80xi32, #tpu.memory_space<vmem>>
    %dma_start3A_58 = arith.constant 0 : i32
    %dma_start3A_59 = arith.constant 0 : i32
    %dma_start3A_60 = tpu.memref_slice %arg2[%dma_start3A_58, %dma_start3A_59] : memref<100000x64xi32, #tpu.memory_space<hbm>> -> memref<100000x64xi32, #tpu.memory_space<hbm>>
    tpu.enqueue_indirect_dma source(%dma_start3A_60 : memref<100000x64xi32, #tpu.memory_space<hbm>>) target(%dma_start3A_55 : memref<80x64xi32, #tpu.memory_space<vmem>>) offsets(%dma_start3A_57 : memref<80xi32, #tpu.memory_space<vmem>>) semaphore(%arg15 : memref<!tpu.dma_semaphore, #tpu.memory_space<semaphore_mem>>)
    %dma_start3A_61 = arith.constant 240 : i32
    %dma_start3A_62 = arith.constant 0 : i32
    %dma_start3A_63 = tpu.memref_slice %arg11[%dma_start3A_61, %dma_start3A_62] : memref<320x64xi32, #tpu.memory_space<vmem>> -> memref<80x64xi32, #tpu.memory_space<vmem>>
    %dma_start3A_64 = arith.constant 240 : i32
    %dma_start3A_65 = tpu.memref_slice %arg8[%dma_start3A_64] : memref<10000xi32, #tpu.memory_space<vmem>> -> memref<80xi32, #tpu.memory_space<vmem>>
    %dma_start3A_66 = arith.constant 0 : i32
    %dma_start3A_67 = arith.constant 0 : i32
    %dma_start3A_68 = tpu.memref_slice %arg3[%dma_start3A_66, %dma_start3A_67] : memref<100000x64xi32, #tpu.memory_space<hbm>> -> memref<100000x64xi32, #tpu.memory_space<hbm>>
    tpu.enqueue_indirect_dma source(%dma_start3A_68 : memref<100000x64xi32, #tpu.memory_space<hbm>>) target(%dma_start3A_63 : memref<80x64xi32, #tpu.memory_space<vmem>>) offsets(%dma_start3A_65 : memref<80xi32, #tpu.memory_space<vmem>>) semaphore(%arg19 : memref<!tpu.dma_semaphore, #tpu.memory_space<semaphore_mem>>)
    %scan3A = arith.constant 0 : i32
    %scan3A_69 = arith.constant 0 : i32
    %scan3A_70 = arith.constant 31 : i32
    %scan3A_71 = arith.addi %scan3A_69, %scan3A_70 : i32
    %scan3A_72 = arith.constant 1 : i32
    %scan3A_73 = scf.for %scan3A_97 = %scan3A_69 to %scan3A_71 step %scan3A_72 iter_args(%scan3A_98 = %scan3A) -> (i32)  : i32 {
      %mul3A_99 = arith.constant 4 : i32
      %mul3A_100 = arith.muli %scan3A_97, %mul3A_99 : i32
      %add3A_101 = arith.constant 0 : i32
      %add3A_102 = arith.addi %mul3A_100, %add3A_101 : i32
      %dma_wait3A_103 = arith.constant 0 : i32
      %dma_wait3A_104 = arith.constant 0 : i32
      %dma_wait3A_105 = tpu.memref_slice %arg10[%dma_wait3A_103, %dma_wait3A_104] : memref<320x64xi32, #tpu.memory_space<vmem>> -> memref<80x64xi32, #tpu.memory_space<vmem>>
      %dma_wait3A_106 = arith.constant 0 : i32
      %dma_wait3A_107 = tpu.memref_slice %arg7[%dma_wait3A_106] : memref<10000xi32, #tpu.memory_space<vmem>> -> memref<80xi32, #tpu.memory_space<vmem>>
      %dma_wait3A_108 = arith.constant 0 : i32
      %dma_wait3A_109 = arith.constant 0 : i32
      %dma_wait3A_110 = tpu.memref_slice %arg2[%dma_wait3A_108, %dma_wait3A_109] : memref<100000x64xi32, #tpu.memory_space<hbm>> -> memref<100000x64xi32, #tpu.memory_space<hbm>>
      tpu.wait_indirect_dma semaphore(%arg12 : memref<!tpu.dma_semaphore, #tpu.memory_space<semaphore_mem>>) src(%dma_wait3A_110 : memref<100000x64xi32, #tpu.memory_space<hbm>>) dst(%dma_wait3A_105 : memref<80x64xi32, #tpu.memory_space<vmem>>)
      %dma_wait3A_111 = arith.constant 0 : i32
      %dma_wait3A_112 = arith.constant 0 : i32
      %dma_wait3A_113 = tpu.memref_slice %arg11[%dma_wait3A_111, %dma_wait3A_112] : memref<320x64xi32, #tpu.memory_space<vmem>> -> memref<80x64xi32, #tpu.memory_space<vmem>>
      %dma_wait3A_114 = arith.constant 0 : i32
      %dma_wait3A_115 = tpu.memref_slice %arg7[%dma_wait3A_114] : memref<10000xi32, #tpu.memory_space<vmem>> -> memref<80xi32, #tpu.memory_space<vmem>>
      %dma_wait3A_116 = arith.constant 0 : i32
      %dma_wait3A_117 = arith.constant 0 : i32
      %dma_wait3A_118 = tpu.memref_slice %arg3[%dma_wait3A_116, %dma_wait3A_117] : memref<100000x64xi32, #tpu.memory_space<hbm>> -> memref<100000x64xi32, #tpu.memory_space<hbm>>
      tpu.wait_indirect_dma semaphore(%arg16 : memref<!tpu.dma_semaphore, #tpu.memory_space<semaphore_mem>>) src(%dma_wait3A_118 : memref<100000x64xi32, #tpu.memory_space<hbm>>) dst(%dma_wait3A_113 : memref<80x64xi32, #tpu.memory_space<vmem>>)
      %scan3A_119 = arith.constant 0 : i32
      %scan3A_120 = arith.constant 0 : i32
      %scan3A_121 = arith.constant 5 : i32
      %scan3A_122 = arith.addi %scan3A_120, %scan3A_121 : i32
      %scan3A_123 = arith.constant 1 : i32
      %scan3A_124 = scf.for %scan3A_233 = %scan3A_120 to %scan3A_122 step %scan3A_123 iter_args(%scan3A_234 = %scan3A_119) -> (i32)  : i32 {
        %mul3A_235 = arith.constant 16 : i32
        %mul3A_236 = arith.muli %scan3A_233, %mul3A_235 : i32
        %add3A_237 = arith.constant 0 : i32
        %add3A_238 = arith.addi %add3A_237, %mul3A_236 : i32
        %add3A_239 = vector.broadcast %add3A_238 : i32 to vector<16xi32>
        %add3A_240 = arith.addi %add3A_239, %iota3A : vector<16xi32>
        %broadcast_in_dim3A = arith.constant 0.000000e+00 : f32
        %broadcast_in_dim3A_241 = vector.broadcast %broadcast_in_dim3A : f32 to vector<16xf32>
        %broadcast_in_dim3A_242 = arith.constant 0.000000e+00 : f32
        %broadcast_in_dim3A_243 = vector.broadcast %broadcast_in_dim3A_242 : f32 to vector<16xf32>
        %broadcast_in_dim3A_244 = arith.constant 0 : i32
        %broadcast_in_dim3A_245 = vector.broadcast %broadcast_in_dim3A_244 : i32 to vector<16xi32>
        %scan3A_246 = arith.constant 0 : i32
        %scan3A_247 = arith.constant 8 : i32
        %scan3A_248 = arith.addi %scan3A_246, %scan3A_247 : i32
        %scan3A_249 = arith.constant 1 : i32
        %scan3A_250:3 = scf.for %scan3A_260 = %scan3A_246 to %scan3A_248 step %scan3A_249 iter_args(%scan3A_261 = %broadcast_in_dim3A_241, %scan3A_262 = %broadcast_in_dim3A_243, %scan3A_263 = %broadcast_in_dim3A_245) -> (vector<16xf32>, vector<16xf32>, vector<16xi32>)  : i32 {
          %add3A_264 = arith.constant 0 : i32
          %add3A_265 = vector.broadcast %add3A_264 : i32 to vector<16xi32>
          %add3A_266 = arith.addi %scan3A_263, %add3A_265 : vector<16xi32>
          %gather3A = tpu.vector_load_idx %arg10[%add3A_240, %add3A_266] : memref<320x64xi32, #tpu.memory_space<vmem>>[vector<16xi32>, vector<16xi32>], vector<16xi32>,
          %gather3A_267 = tpu.vector_load_idx %arg11[%add3A_240, %add3A_266] : memref<320x64xi32, #tpu.memory_space<vmem>>[vector<16xi32>, vector<16xi32>], vector<16xi32>,
          %bitcast3A = vector.bitcast %gather3A : vector<16xi32> to vector<32xbf16>
          %unpack3A = tpu.unpack_subelements %bitcast3A, 0 {pack_format = #tpu.pack_format<interleaved>} : vector<32xbf16> -> vector<16xf32>
          %unpack3A_268 = tpu.unpack_subelements %bitcast3A, 1 {pack_format = #tpu.pack_format<interleaved>} : vector<32xbf16> -> vector<16xf32>
          %bitcast3A_269 = vector.bitcast %gather3A_267 : vector<16xi32> to vector<32xbf16>
          %unpack3A_270 = tpu.unpack_subelements %bitcast3A_269, 0 {pack_format = #tpu.pack_format<interleaved>} : vector<32xbf16> -> vector<16xf32>
          %unpack3A_271 = tpu.unpack_subelements %bitcast3A_269, 1 {pack_format = #tpu.pack_format<interleaved>} : vector<32xbf16> -> vector<16xf32>
          %mul3A_272 = arith.mulf %unpack3A, %unpack3A_270 : vector<16xf32>
          %add3A_273 = arith.addf %scan3A_261, %mul3A_272 : vector<16xf32>
          %mul3A_274 = arith.mulf %unpack3A_268, %unpack3A_271 : vector<16xf32>
          %add3A_275 = arith.addf %scan3A_262, %mul3A_274 : vector<16xf32>
          %add3A_276 = arith.constant 1 : i32
          %add3A_277 = vector.broadcast %add3A_276 : i32 to vector<16xi32>
          %add3A_278 = arith.addi %scan3A_263, %add3A_277 : vector<16xi32>
          %gather3A_279 = tpu.vector_load_idx %arg10[%add3A_240, %add3A_278] : memref<320x64xi32, #tpu.memory_space<vmem>>[vector<16xi32>, vector<16xi32>], vector<16xi32>,
          %gather3A_280 = tpu.vector_load_idx %arg11[%add3A_240, %add3A_278] : memref<320x64xi32, #tpu.memory_space<vmem>>[vector<16xi32>, vector<16xi32>], vector<16xi32>,
          %bitcast3A_281 = vector.bitcast %gather3A_279 : vector<16xi32> to vector<32xbf16>
          %unpack3A_282 = tpu.unpack_subelements %bitcast3A_281, 0 {pack_format = #tpu.pack_format<interleaved>} : vector<32xbf16> -> vector<16xf32>
          %unpack3A_283 = tpu.unpack_subelements %bitcast3A_281, 1 {pack_format = #tpu.pack_format<interleaved>} : vector<32xbf16> -> vector<16xf32>
          %bitcast3A_284 = vector.bitcast %gather3A_280 : vector<16xi32> to vector<32xbf16>
          %unpack3A_285 = tpu.unpack_subelements %bitcast3A_284, 0 {pack_format = #tpu.pack_format<interleaved>} : vector<32xbf16> -> vector<16xf32>
          %unpack3A_286 = tpu.unpack_subelements %bitcast3A_284, 1 {pack_format = #tpu.pack_format<interleaved>} : vector<32xbf16> -> vector<16xf32>
          %mul3A_287 = arith.mulf %unpack3A_282, %unpack3A_285 : vector<16xf32>
          %add3A_288 = arith.addf %add3A_273, %mul3A_287 : vector<16xf32>
          %mul3A_289 = arith.mulf %unpack3A_283, %unpack3A_286 : vector<16xf32>
          %add3A_290 = arith.addf %add3A_275, %mul3A_289 : vector<16xf32>
          %add3A_291 = arith.constant 2 : i32
          %add3A_292 = vector.broadcast %add3A_291 : i32 to vector<16xi32>
          %add3A_293 = arith.addi %scan3A_263, %add3A_292 : vector<16xi32>
          %gather3A_294 = tpu.vector_load_idx %arg10[%add3A_240, %add3A_293] : memref<320x64xi32, #tpu.memory_space<vmem>>[vector<16xi32>, vector<16xi32>], vector<16xi32>,
          %gather3A_295 = tpu.vector_load_idx %arg11[%add3A_240, %add3A_293] : memref<320x64xi32, #tpu.memory_space<vmem>>[vector<16xi32>, vector<16xi32>], vector<16xi32>,
          %bitcast3A_296 = vector.bitcast %gather3A_294 : vector<16xi32> to vector<32xbf16>
          %unpack3A_297 = tpu.unpack_subelements %bitcast3A_296, 0 {pack_format = #tpu.pack_format<interleaved>} : vector<32xbf16> -> vector<16xf32>
          %unpack3A_298 = tpu.unpack_subelements %bitcast3A_296, 1 {pack_format = #tpu.pack_format<interleaved>} : vector<32xbf16> -> vector<16xf32>
          %bitcast3A_299 = vector.bitcast %gather3A_295 : vector<16xi32> to vector<32xbf16>
          %unpack3A_300 = tpu.unpack_subelements %bitcast3A_299, 0 {pack_format = #tpu.pack_format<interleaved>} : vector<32xbf16> -> vector<16xf32>
          %unpack3A_301 = tpu.unpack_subelements %bitcast3A_299, 1 {pack_format = #tpu.pack_format<interleaved>} : vector<32xbf16> -> vector<16xf32>
          %mul3A_302 = arith.mulf %unpack3A_297, %unpack3A_300 : vector<16xf32>
          %add3A_303 = arith.addf %add3A_288, %mul3A_302 : vector<16xf32>
          %mul3A_304 = arith.mulf %unpack3A_298, %unpack3A_301 : vector<16xf32>
          %add3A_305 = arith.addf %add3A_290, %mul3A_304 : vector<16xf32>
          %add3A_306 = arith.constant 3 : i32
          %add3A_307 = vector.broadcast %add3A_306 : i32 to vector<16xi32>
          %add3A_308 = arith.addi %scan3A_263, %add3A_307 : vector<16xi32>
          %gather3A_309 = tpu.vector_load_idx %arg10[%add3A_240, %add3A_308] : memref<320x64xi32, #tpu.memory_space<vmem>>[vector<16xi32>, vector<16xi32>], vector<16xi32>,
          %gather3A_310 = tpu.vector_load_idx %arg11[%add3A_240, %add3A_308] : memref<320x64xi32, #tpu.memory_space<vmem>>[vector<16xi32>, vector<16xi32>], vector<16xi32>,
          %bitcast3A_311 = vector.bitcast %gather3A_309 : vector<16xi32> to vector<32xbf16>
          %unpack3A_312 = tpu.unpack_subelements %bitcast3A_311, 0 {pack_format = #tpu.pack_format<interleaved>} : vector<32xbf16> -> vector<16xf32>
          %unpack3A_313 = tpu.unpack_subelements %bitcast3A_311, 1 {pack_format = #tpu.pack_format<interleaved>} : vector<32xbf16> -> vector<16xf32>
          %bitcast3A_314 = vector.bitcast %gather3A_310 : vector<16xi32> to vector<32xbf16>
          %unpack3A_315 = tpu.unpack_subelements %bitcast3A_314, 0 {pack_format = #tpu.pack_format<interleaved>} : vector<32xbf16> -> vector<16xf32>
          %unpack3A_316 = tpu.unpack_subelements %bitcast3A_314, 1 {pack_format = #tpu.pack_format<interleaved>} : vector<32xbf16> -> vector<16xf32>
          %mul3A_317 = arith.mulf %unpack3A_312, %unpack3A_315 : vector<16xf32>
          %add3A_318 = arith.addf %add3A_303, %mul3A_317 : vector<16xf32>
          %mul3A_319 = arith.mulf %unpack3A_313, %unpack3A_316 : vector<16xf32>
          %add3A_320 = arith.addf %add3A_305, %mul3A_319 : vector<16xf32>
          %add3A_321 = arith.constant 4 : i32
          %add3A_322 = vector.broadcast %add3A_321 : i32 to vector<16xi32>
          %add3A_323 = arith.addi %scan3A_263, %add3A_322 : vector<16xi32>
          %gather3A_324 = tpu.vector_load_idx %arg10[%add3A_240, %add3A_323] : memref<320x64xi32, #tpu.memory_space<vmem>>[vector<16xi32>, vector<16xi32>], vector<16xi32>,
          %gather3A_325 = tpu.vector_load_idx %arg11[%add3A_240, %add3A_323] : memref<320x64xi32, #tpu.memory_space<vmem>>[vector<16xi32>, vector<16xi32>], vector<16xi32>,
          %bitcast3A_326 = vector.bitcast %gather3A_324 : vector<16xi32> to vector<32xbf16>
          %unpack3A_327 = tpu.unpack_subelements %bitcast3A_326, 0 {pack_format = #tpu.pack_format<interleaved>} : vector<32xbf16> -> vector<16xf32>
          %unpack3A_328 = tpu.unpack_subelements %bitcast3A_326, 1 {pack_format = #tpu.pack_format<interleaved>} : vector<32xbf16> -> vector<16xf32>
          %bitcast3A_329 = vector.bitcast %gather3A_325 : vector<16xi32> to vector<32xbf16>
          %unpack3A_330 = tpu.unpack_subelements %bitcast3A_329, 0 {pack_format = #tpu.pack_format<interleaved>} : vector<32xbf16> -> vector<16xf32>
          %unpack3A_331 = tpu.unpack_subelements %bitcast3A_329, 1 {pack_format = #tpu.pack_format<interleaved>} : vector<32xbf16> -> vector<16xf32>
          %mul3A_332 = arith.mulf %unpack3A_327, %unpack3A_330 : vector<16xf32>
          %add3A_333 = arith.addf %add3A_318, %mul3A_332 : vector<16xf32>
          %mul3A_334 = arith.mulf %unpack3A_328, %unpack3A_331 : vector<16xf32>
          %add3A_335 = arith.addf %add3A_320, %mul3A_334 : vector<16xf32>
          %add3A_336 = arith.constant 5 : i32
          %add3A_337 = vector.broadcast %add3A_336 : i32 to vector<16xi32>
          %add3A_338 = arith.addi %scan3A_263, %add3A_337 : vector<16xi32>
          %gather3A_339 = tpu.vector_load_idx %arg10[%add3A_240, %add3A_338] : memref<320x64xi32, #tpu.memory_space<vmem>>[vector<16xi32>, vector<16xi32>], vector<16xi32>,
          %gather3A_340 = tpu.vector_load_idx %arg11[%add3A_240, %add3A_338] : memref<320x64xi32, #tpu.memory_space<vmem>>[vector<16xi32>, vector<16xi32>], vector<16xi32>,
          %bitcast3A_341 = vector.bitcast %gather3A_339 : vector<16xi32> to vector<32xbf16>
          %unpack3A_342 = tpu.unpack_subelements %bitcast3A_341, 0 {pack_format = #tpu.pack_format<interleaved>} : vector<32xbf16> -> vector<16xf32>
          %unpack3A_343 = tpu.unpack_subelements %bitcast3A_341, 1 {pack_format = #tpu.pack_format<interleaved>} : vector<32xbf16> -> vector<16xf32>
          %bitcast3A_344 = vector.bitcast %gather3A_340 : vector<16xi32> to vector<32xbf16>
          %unpack3A_345 = tpu.unpack_subelements %bitcast3A_344, 0 {pack_format = #tpu.pack_format<interleaved>} : vector<32xbf16> -> vector<16xf32>
          %unpack3A_346 = tpu.unpack_subelements %bitcast3A_344, 1 {pack_format = #tpu.pack_format<interleaved>} : vector<32xbf16> -> vector<16xf32>
          %mul3A_347 = arith.mulf %unpack3A_342, %unpack3A_345 : vector<16xf32>
          %add3A_348 = arith.addf %add3A_333, %mul3A_347 : vector<16xf32>
          %mul3A_349 = arith.mulf %unpack3A_343, %unpack3A_346 : vector<16xf32>
          %add3A_350 = arith.addf %add3A_335, %mul3A_349 : vector<16xf32>
          %add3A_351 = arith.constant 6 : i32
          %add3A_352 = vector.broadcast %add3A_351 : i32 to vector<16xi32>
          %add3A_353 = arith.addi %scan3A_263, %add3A_352 : vector<16xi32>
          %gather3A_354 = tpu.vector_load_idx %arg10[%add3A_240, %add3A_353] : memref<320x64xi32, #tpu.memory_space<vmem>>[vector<16xi32>, vector<16xi32>], vector<16xi32>,
          %gather3A_355 = tpu.vector_load_idx %arg11[%add3A_240, %add3A_353] : memref<320x64xi32, #tpu.memory_space<vmem>>[vector<16xi32>, vector<16xi32>], vector<16xi32>,
          %bitcast3A_356 = vector.bitcast %gather3A_354 : vector<16xi32> to vector<32xbf16>
          %unpack3A_357 = tpu.unpack_subelements %bitcast3A_356, 0 {pack_format = #tpu.pack_format<interleaved>} : vector<32xbf16> -> vector<16xf32>
          %unpack3A_358 = tpu.unpack_subelements %bitcast3A_356, 1 {pack_format = #tpu.pack_format<interleaved>} : vector<32xbf16> -> vector<16xf32>
          %bitcast3A_359 = vector.bitcast %gather3A_355 : vector<16xi32> to vector<32xbf16>
          %unpack3A_360 = tpu.unpack_subelements %bitcast3A_359, 0 {pack_format = #tpu.pack_format<interleaved>} : vector<32xbf16> -> vector<16xf32>
          %unpack3A_361 = tpu.unpack_subelements %bitcast3A_359, 1 {pack_format = #tpu.pack_format<interleaved>} : vector<32xbf16> -> vector<16xf32>
          %mul3A_362 = arith.mulf %unpack3A_357, %unpack3A_360 : vector<16xf32>
          %add3A_363 = arith.addf %add3A_348, %mul3A_362 : vector<16xf32>
          %mul3A_364 = arith.mulf %unpack3A_358, %unpack3A_361 : vector<16xf32>
          %add3A_365 = arith.addf %add3A_350, %mul3A_364 : vector<16xf32>
          %add3A_366 = arith.constant 7 : i32
          %add3A_367 = vector.broadcast %add3A_366 : i32 to vector<16xi32>
          %add3A_368 = arith.addi %scan3A_263, %add3A_367 : vector<16xi32>
          %gather3A_369 = tpu.vector_load_idx %arg10[%add3A_240, %add3A_368] : memref<320x64xi32, #tpu.memory_space<vmem>>[vector<16xi32>, vector<16xi32>], vector<16xi32>,
          %gather3A_370 = tpu.vector_load_idx %arg11[%add3A_240, %add3A_368] : memref<320x64xi32, #tpu.memory_space<vmem>>[vector<16xi32>, vector<16xi32>], vector<16xi32>,
          %bitcast3A_371 = vector.bitcast %gather3A_369 : vector<16xi32> to vector<32xbf16>
          %unpack3A_372 = tpu.unpack_subelements %bitcast3A_371, 0 {pack_format = #tpu.pack_format<interleaved>} : vector<32xbf16> -> vector<16xf32>
          %unpack3A_373 = tpu.unpack_subelements %bitcast3A_371, 1 {pack_format = #tpu.pack_format<interleaved>} : vector<32xbf16> -> vector<16xf32>
          %bitcast3A_374 = vector.bitcast %gather3A_370 : vector<16xi32> to vector<32xbf16>
          %unpack3A_375 = tpu.unpack_subelements %bitcast3A_374, 0 {pack_format = #tpu.pack_format<interleaved>} : vector<32xbf16> -> vector<16xf32>
          %unpack3A_376 = tpu.unpack_subelements %bitcast3A_374, 1 {pack_format = #tpu.pack_format<interleaved>} : vector<32xbf16> -> vector<16xf32>
          %mul3A_377 = arith.mulf %unpack3A_372, %unpack3A_375 : vector<16xf32>
          %add3A_378 = arith.addf %add3A_363, %mul3A_377 : vector<16xf32>
          %mul3A_379 = arith.mulf %unpack3A_373, %unpack3A_376 : vector<16xf32>
          %add3A_380 = arith.addf %add3A_365, %mul3A_379 : vector<16xf32>
          %add3A_381 = arith.constant 8 : i32
          %add3A_382 = vector.broadcast %add3A_381 : i32 to vector<16xi32>
          %add3A_383 = arith.addi %scan3A_263, %add3A_382 : vector<16xi32>
          scf.yield %add3A_378, %add3A_380, %add3A_383 : vector<16xf32>, vector<16xf32>, vector<16xi32>
        }
        %scan3A_251 = arith.constant 8 : i32
        %add3A_252 = arith.addf %scan3A_250#0, %scan3A_250#1 : vector<16xf32>
        %mul3A_253 = arith.constant 80 : i32
        %mul3A_254 = arith.muli %add3A_102, %mul3A_253 : i32
        %mul3A_255 = arith.constant 16 : i32
        %mul3A_256 = arith.muli %scan3A_233, %mul3A_255 : i32
        %add3A_257 = arith.addi %mul3A_254, %mul3A_256 : i32
        %swap3A = arith.index_cast %add3A_257 : i32 to index
        %swap3A_258 = tpu.vector_load %arg9[%swap3A] {strides = array<i32>} : memref<10000xf32, #tpu.memory_space<vmem>>, vector<16xf32>,
        tpu.vector_store %arg9[%swap3A], %add3A_252 {strides = array<i32>} : memref<10000xf32, #tpu.memory_space<vmem>>, vector<16xf32>,
        %scan3A_259 = arith.constant 0 : i32
        scf.yield %scan3A_259 : i32
      }
      %scan3A_125 = arith.constant 5 : i32
      %add3A_126 = arith.constant 4 : i32
      %add3A_127 = arith.addi %add3A_102, %add3A_126 : i32
      %lt3A = arith.constant 125 : i32
      %lt3A_128 = arith.cmpi slt, %add3A_127, %lt3A : i32
      %convert_element_type3A = arith.extui %lt3A_128 : i1 to i32
      %cond3A = arith.constant 0 : i32
      %cond3A_129 = arith.cmpi ne, %convert_element_type3A, %cond3A : i32
      scf.if %cond3A_129 {
        %add3A_233 = arith.constant 4 : i32
        %add3A_234 = arith.addi %add3A_102, %add3A_233 : i32
        %mul3A_235 = arith.constant 80 : i32
        %mul3A_236 = arith.muli %add3A_234, %mul3A_235 : i32
        %dma_start3A_237 = arith.constant 0 : i32
        %dma_start3A_238 = arith.constant 0 : i32
        %dma_start3A_239 = tpu.memref_slice %arg10[%dma_start3A_237, %dma_start3A_238] : memref<320x64xi32, #tpu.memory_space<vmem>> -> memref<80x64xi32, #tpu.memory_space<vmem>>
        %dma_start3A_240 = tpu.memref_slice %arg7[%mul3A_236] : memref<10000xi32, #tpu.memory_space<vmem>> -> memref<80xi32, #tpu.memory_space<vmem>>
        %dma_start3A_241 = arith.constant 0 : i32
        %dma_start3A_242 = arith.constant 0 : i32
        %dma_start3A_243 = tpu.memref_slice %arg2[%dma_start3A_241, %dma_start3A_242] : memref<100000x64xi32, #tpu.memory_space<hbm>> -> memref<100000x64xi32, #tpu.memory_space<hbm>>
        tpu.enqueue_indirect_dma source(%dma_start3A_243 : memref<100000x64xi32, #tpu.memory_space<hbm>>) target(%dma_start3A_239 : memref<80x64xi32, #tpu.memory_space<vmem>>) offsets(%dma_start3A_240 : memref<80xi32, #tpu.memory_space<vmem>>) semaphore(%arg12 : memref<!tpu.dma_semaphore, #tpu.memory_space<semaphore_mem>>)
        %dma_start3A_244 = arith.constant 0 : i32
        %dma_start3A_245 = arith.constant 0 : i32
        %dma_start3A_246 = tpu.memref_slice %arg11[%dma_start3A_244, %dma_start3A_245] : memref<320x64xi32, #tpu.memory_space<vmem>> -> memref<80x64xi32, #tpu.memory_space<vmem>>
        %dma_start3A_247 = tpu.memref_slice %arg8[%mul3A_236] : memref<10000xi32, #tpu.memory_space<vmem>> -> memref<80xi32, #tpu.memory_space<vmem>>
        %dma_start3A_248 = arith.constant 0 : i32
        %dma_start3A_249 = arith.constant 0 : i32
        %dma_start3A_250 = tpu.memref_slice %arg3[%dma_start3A_248, %dma_start3A_249] : memref<100000x64xi32, #tpu.memory_space<hbm>> -> memref<100000x64xi32, #tpu.memory_space<hbm>>
        tpu.enqueue_indirect_dma source(%dma_start3A_250 : memref<100000x64xi32, #tpu.memory_space<hbm>>) target(%dma_start3A_246 : memref<80x64xi32, #tpu.memory_space<vmem>>) offsets(%dma_start3A_247 : memref<80xi32, #tpu.memory_space<vmem>>) semaphore(%arg16 : memref<!tpu.dma_semaphore, #tpu.memory_space<semaphore_mem>>)
      } else {
      }
      %mul3A_130 = arith.constant 4 : i32
      %mul3A_131 = arith.muli %scan3A_97, %mul3A_130 : i32
      %add3A_132 = arith.constant 1 : i32
      %add3A_133 = arith.addi %mul3A_131, %add3A_132 : i32
      %dma_wait3A_134 = arith.constant 80 : i32
      %dma_wait3A_135 = arith.constant 0 : i32
      %dma_wait3A_136 = tpu.memref_slice %arg10[%dma_wait3A_134, %dma_wait3A_135] : memref<320x64xi32, #tpu.memory_space<vmem>> -> memref<80x64xi32, #tpu.memory_space<vmem>>
      %dma_wait3A_137 = arith.constant 0 : i32
      %dma_wait3A_138 = tpu.memref_slice %arg7[%dma_wait3A_137] : memref<10000xi32, #tpu.memory_space<vmem>> -> memref<80xi32, #tpu.memory_space<vmem>>
      %dma_wait3A_139 = arith.constant 0 : i32
      %dma_wait3A_140 = arith.constant 0 : i32
      %dma_wait3A_141 = tpu.memref_slice %arg2[%dma_wait3A_139, %dma_wait3A_140] : memref<100000x64xi32, #tpu.memory_space<hbm>> -> memref<100000x64xi32, #tpu.memory_space<hbm>>
      tpu.wait_indirect_dma semaphore(%arg13 : memref<!tpu.dma_semaphore, #tpu.memory_space<semaphore_mem>>) src(%dma_wait3A_141 : memref<100000x64xi32, #tpu.memory_space<hbm>>) dst(%dma_wait3A_136 : memref<80x64xi32, #tpu.memory_space<vmem>>)
      %dma_wait3A_142 = arith.constant 80 : i32
      %dma_wait3A_143 = arith.constant 0 : i32
      %dma_wait3A_144 = tpu.memref_slice %arg11[%dma_wait3A_142, %dma_wait3A_143] : memref<320x64xi32, #tpu.memory_space<vmem>> -> memref<80x64xi32, #tpu.memory_space<vmem>>
      %dma_wait3A_145 = arith.constant 0 : i32
      %dma_wait3A_146 = tpu.memref_slice %arg7[%dma_wait3A_145] : memref<10000xi32, #tpu.memory_space<vmem>> -> memref<80xi32, #tpu.memory_space<vmem>>
      %dma_wait3A_147 = arith.constant 0 : i32
      %dma_wait3A_148 = arith.constant 0 : i32
      %dma_wait3A_149 = tpu.memref_slice %arg3[%dma_wait3A_147, %dma_wait3A_148] : memref<100000x64xi32, #tpu.memory_space<hbm>> -> memref<100000x64xi32, #tpu.memory_space<hbm>>
      tpu.wait_indirect_dma semaphore(%arg17 : memref<!tpu.dma_semaphore, #tpu.memory_space<semaphore_mem>>) src(%dma_wait3A_149 : memref<100000x64xi32, #tpu.memory_space<hbm>>) dst(%dma_wait3A_144 : memref<80x64xi32, #tpu.memory_space<vmem>>)
      %scan3A_150 = arith.constant 0 : i32
      %scan3A_151 = arith.constant 0 : i32
      %scan3A_152 = arith.constant 5 : i32
      %scan3A_153 = arith.addi %scan3A_151, %scan3A_152 : i32
      %scan3A_154 = arith.constant 1 : i32
      %scan3A_155 = scf.for %scan3A_233 = %scan3A_151 to %scan3A_153 step %scan3A_154 iter_args(%scan3A_234 = %scan3A_150) -> (i32)  : i32 {
        %mul3A_235 = arith.constant 16 : i32
        %mul3A_236 = arith.muli %scan3A_233, %mul3A_235 : i32
        %add3A_237 = arith.constant 80 : i32
        %add3A_238 = arith.addi %add3A_237, %mul3A_236 : i32
        %add3A_239 = vector.broadcast %add3A_238 : i32 to vector<16xi32>
        %add3A_240 = arith.addi %add3A_239, %iota3A : vector<16xi32>
        %broadcast_in_dim3A = arith.constant 0.000000e+00 : f32
        %broadcast_in_dim3A_241 = vector.broadcast %broadcast_in_dim3A : f32 to vector<16xf32>
        %broadcast_in_dim3A_242 = arith.constant 0.000000e+00 : f32
        %broadcast_in_dim3A_243 = vector.broadcast %broadcast_in_dim3A_242 : f32 to vector<16xf32>
        %broadcast_in_dim3A_244 = arith.constant 0 : i32
        %broadcast_in_dim3A_245 = vector.broadcast %broadcast_in_dim3A_244 : i32 to vector<16xi32>
        %scan3A_246 = arith.constant 0 : i32
        %scan3A_247 = arith.constant 8 : i32
        %scan3A_248 = arith.addi %scan3A_246, %scan3A_247 : i32
        %scan3A_249 = arith.constant 1 : i32
        %scan3A_250:3 = scf.for %scan3A_260 = %scan3A_246 to %scan3A_248 step %scan3A_249 iter_args(%scan3A_261 = %broadcast_in_dim3A_241, %scan3A_262 = %broadcast_in_dim3A_243, %scan3A_263 = %broadcast_in_dim3A_245) -> (vector<16xf32>, vector<16xf32>, vector<16xi32>)  : i32 {
          %add3A_264 = arith.constant 0 : i32
          %add3A_265 = vector.broadcast %add3A_264 : i32 to vector<16xi32>
          %add3A_266 = arith.addi %scan3A_263, %add3A_265 : vector<16xi32>
          %gather3A = tpu.vector_load_idx %arg10[%add3A_240, %add3A_266] : memref<320x64xi32, #tpu.memory_space<vmem>>[vector<16xi32>, vector<16xi32>], vector<16xi32>,
          %gather3A_267 = tpu.vector_load_idx %arg11[%add3A_240, %add3A_266] : memref<320x64xi32, #tpu.memory_space<vmem>>[vector<16xi32>, vector<16xi32>], vector<16xi32>,
          %bitcast3A = vector.bitcast %gather3A : vector<16xi32> to vector<32xbf16>
          %unpack3A = tpu.unpack_subelements %bitcast3A, 0 {pack_format = #tpu.pack_format<interleaved>} : vector<32xbf16> -> vector<16xf32>
          %unpack3A_268 = tpu.unpack_subelements %bitcast3A, 1 {pack_format = #tpu.pack_format<interleaved>} : vector<32xbf16> -> vector<16xf32>
          %bitcast3A_269 = vector.bitcast %gather3A_267 : vector<16xi32> to vector<32xbf16>
          %unpack3A_270 = tpu.unpack_subelements %bitcast3A_269, 0 {pack_format = #tpu.pack_format<interleaved>} : vector<32xbf16> -> vector<16xf32>
          %unpack3A_271 = tpu.unpack_subelements %bitcast3A_269, 1 {pack_format = #tpu.pack_format<interleaved>} : vector<32xbf16> -> vector<16xf32>
          %mul3A_272 = arith.mulf %unpack3A, %unpack3A_270 : vector<16xf32>
          %add3A_273 = arith.addf %scan3A_261, %mul3A_272 : vector<16xf32>
          %mul3A_274 = arith.mulf %unpack3A_268, %unpack3A_271 : vector<16xf32>
          %add3A_275 = arith.addf %scan3A_262, %mul3A_274 : vector<16xf32>
          %add3A_276 = arith.constant 1 : i32
          %add3A_277 = vector.broadcast %add3A_276 : i32 to vector<16xi32>
          %add3A_278 = arith.addi %scan3A_263, %add3A_277 : vector<16xi32>
          %gather3A_279 = tpu.vector_load_idx %arg10[%add3A_240, %add3A_278] : memref<320x64xi32, #tpu.memory_space<vmem>>[vector<16xi32>, vector<16xi32>], vector<16xi32>,
          %gather3A_280 = tpu.vector_load_idx %arg11[%add3A_240, %add3A_278] : memref<320x64xi32, #tpu.memory_space<vmem>>[vector<16xi32>, vector<16xi32>], vector<16xi32>,
          %bitcast3A_281 = vector.bitcast %gather3A_279 : vector<16xi32> to vector<32xbf16>
          %unpack3A_282 = tpu.unpack_subelements %bitcast3A_281, 0 {pack_format = #tpu.pack_format<interleaved>} : vector<32xbf16> -> vector<16xf32>
          %unpack3A_283 = tpu.unpack_subelements %bitcast3A_281, 1 {pack_format = #tpu.pack_format<interleaved>} : vector<32xbf16> -> vector<16xf32>
          %bitcast3A_284 = vector.bitcast %gather3A_280 : vector<16xi32> to vector<32xbf16>
          %unpack3A_285 = tpu.unpack_subelements %bitcast3A_284, 0 {pack_format = #tpu.pack_format<interleaved>} : vector<32xbf16> -> vector<16xf32>
          %unpack3A_286 = tpu.unpack_subelements %bitcast3A_284, 1 {pack_format = #tpu.pack_format<interleaved>} : vector<32xbf16> -> vector<16xf32>
          %mul3A_287 = arith.mulf %unpack3A_282, %unpack3A_285 : vector<16xf32>
          %add3A_288 = arith.addf %add3A_273, %mul3A_287 : vector<16xf32>
          %mul3A_289 = arith.mulf %unpack3A_283, %unpack3A_286 : vector<16xf32>
          %add3A_290 = arith.addf %add3A_275, %mul3A_289 : vector<16xf32>
          %add3A_291 = arith.constant 2 : i32
          %add3A_292 = vector.broadcast %add3A_291 : i32 to vector<16xi32>
          %add3A_293 = arith.addi %scan3A_263, %add3A_292 : vector<16xi32>
          %gather3A_294 = tpu.vector_load_idx %arg10[%add3A_240, %add3A_293] : memref<320x64xi32, #tpu.memory_space<vmem>>[vector<16xi32>, vector<16xi32>], vector<16xi32>,
          %gather3A_295 = tpu.vector_load_idx %arg11[%add3A_240, %add3A_293] : memref<320x64xi32, #tpu.memory_space<vmem>>[vector<16xi32>, vector<16xi32>], vector<16xi32>,
          %bitcast3A_296 = vector.bitcast %gather3A_294 : vector<16xi32> to vector<32xbf16>
          %unpack3A_297 = tpu.unpack_subelements %bitcast3A_296, 0 {pack_format = #tpu.pack_format<interleaved>} : vector<32xbf16> -> vector<16xf32>
          %unpack3A_298 = tpu.unpack_subelements %bitcast3A_296, 1 {pack_format = #tpu.pack_format<interleaved>} : vector<32xbf16> -> vector<16xf32>
          %bitcast3A_299 = vector.bitcast %gather3A_295 : vector<16xi32> to vector<32xbf16>
          %unpack3A_300 = tpu.unpack_subelements %bitcast3A_299, 0 {pack_format = #tpu.pack_format<interleaved>} : vector<32xbf16> -> vector<16xf32>
          %unpack3A_301 = tpu.unpack_subelements %bitcast3A_299, 1 {pack_format = #tpu.pack_format<interleaved>} : vector<32xbf16> -> vector<16xf32>
          %mul3A_302 = arith.mulf %unpack3A_297, %unpack3A_300 : vector<16xf32>
          %add3A_303 = arith.addf %add3A_288, %mul3A_302 : vector<16xf32>
          %mul3A_304 = arith.mulf %unpack3A_298, %unpack3A_301 : vector<16xf32>
          %add3A_305 = arith.addf %add3A_290, %mul3A_304 : vector<16xf32>
          %add3A_306 = arith.constant 3 : i32
          %add3A_307 = vector.broadcast %add3A_306 : i32 to vector<16xi32>
          %add3A_308 = arith.addi %scan3A_263, %add3A_307 : vector<16xi32>
          %gather3A_309 = tpu.vector_load_idx %arg10[%add3A_240, %add3A_308] : memref<320x64xi32, #tpu.memory_space<vmem>>[vector<16xi32>, vector<16xi32>], vector<16xi32>,
          %gather3A_310 = tpu.vector_load_idx %arg11[%add3A_240, %add3A_308] : memref<320x64xi32, #tpu.memory_space<vmem>>[vector<16xi32>, vector<16xi32>], vector<16xi32>,
          %bitcast3A_311 = vector.bitcast %gather3A_309 : vector<16xi32> to vector<32xbf16>
          %unpack3A_312 = tpu.unpack_subelements %bitcast3A_311, 0 {pack_format = #tpu.pack_format<interleaved>} : vector<32xbf16> -> vector<16xf32>
          %unpack3A_313 = tpu.unpack_subelements %bitcast3A_311, 1 {pack_format = #tpu.pack_format<interleaved>} : vector<32xbf16> -> vector<16xf32>
          %bitcast3A_314 = vector.bitcast %gather3A_310 : vector<16xi32> to vector<32xbf16>
          %unpack3A_315 = tpu.unpack_subelements %bitcast3A_314, 0 {pack_format = #tpu.pack_format<interleaved>} : vector<32xbf16> -> vector<16xf32>
          %unpack3A_316 = tpu.unpack_subelements %bitcast3A_314, 1 {pack_format = #tpu.pack_format<interleaved>} : vector<32xbf16> -> vector<16xf32>
          %mul3A_317 = arith.mulf %unpack3A_312, %unpack3A_315 : vector<16xf32>
          %add3A_318 = arith.addf %add3A_303, %mul3A_317 : vector<16xf32>
          %mul3A_319 = arith.mulf %unpack3A_313, %unpack3A_316 : vector<16xf32>
          %add3A_320 = arith.addf %add3A_305, %mul3A_319 : vector<16xf32>
          %add3A_321 = arith.constant 4 : i32
          %add3A_322 = vector.broadcast %add3A_321 : i32 to vector<16xi32>
          %add3A_323 = arith.addi %scan3A_263, %add3A_322 : vector<16xi32>
          %gather3A_324 = tpu.vector_load_idx %arg10[%add3A_240, %add3A_323] : memref<320x64xi32, #tpu.memory_space<vmem>>[vector<16xi32>, vector<16xi32>], vector<16xi32>,
          %gather3A_325 = tpu.vector_load_idx %arg11[%add3A_240, %add3A_323] : memref<320x64xi32, #tpu.memory_space<vmem>>[vector<16xi32>, vector<16xi32>], vector<16xi32>,
          %bitcast3A_326 = vector.bitcast %gather3A_324 : vector<16xi32> to vector<32xbf16>
          %unpack3A_327 = tpu.unpack_subelements %bitcast3A_326, 0 {pack_format = #tpu.pack_format<interleaved>} : vector<32xbf16> -> vector<16xf32>
          %unpack3A_328 = tpu.unpack_subelements %bitcast3A_326, 1 {pack_format = #tpu.pack_format<interleaved>} : vector<32xbf16> -> vector<16xf32>
          %bitcast3A_329 = vector.bitcast %gather3A_325 : vector<16xi32> to vector<32xbf16>
          %unpack3A_330 = tpu.unpack_subelements %bitcast3A_329, 0 {pack_format = #tpu.pack_format<interleaved>} : vector<32xbf16> -> vector<16xf32>
          %unpack3A_331 = tpu.unpack_subelements %bitcast3A_329, 1 {pack_format = #tpu.pack_format<interleaved>} : vector<32xbf16> -> vector<16xf32>
          %mul3A_332 = arith.mulf %unpack3A_327, %unpack3A_330 : vector<16xf32>
          %add3A_333 = arith.addf %add3A_318, %mul3A_332 : vector<16xf32>
          %mul3A_334 = arith.mulf %unpack3A_328, %unpack3A_331 : vector<16xf32>
          %add3A_335 = arith.addf %add3A_320, %mul3A_334 : vector<16xf32>
          %add3A_336 = arith.constant 5 : i32
          %add3A_337 = vector.broadcast %add3A_336 : i32 to vector<16xi32>
          %add3A_338 = arith.addi %scan3A_263, %add3A_337 : vector<16xi32>
          %gather3A_339 = tpu.vector_load_idx %arg10[%add3A_240, %add3A_338] : memref<320x64xi32, #tpu.memory_space<vmem>>[vector<16xi32>, vector<16xi32>], vector<16xi32>,
          %gather3A_340 = tpu.vector_load_idx %arg11[%add3A_240, %add3A_338] : memref<320x64xi32, #tpu.memory_space<vmem>>[vector<16xi32>, vector<16xi32>], vector<16xi32>,
          %bitcast3A_341 = vector.bitcast %gather3A_339 : vector<16xi32> to vector<32xbf16>
          %unpack3A_342 = tpu.unpack_subelements %bitcast3A_341, 0 {pack_format = #tpu.pack_format<interleaved>} : vector<32xbf16> -> vector<16xf32>
          %unpack3A_343 = tpu.unpack_subelements %bitcast3A_341, 1 {pack_format = #tpu.pack_format<interleaved>} : vector<32xbf16> -> vector<16xf32>
          %bitcast3A_344 = vector.bitcast %gather3A_340 : vector<16xi32> to vector<32xbf16>
          %unpack3A_345 = tpu.unpack_subelements %bitcast3A_344, 0 {pack_format = #tpu.pack_format<interleaved>} : vector<32xbf16> -> vector<16xf32>
          %unpack3A_346 = tpu.unpack_subelements %bitcast3A_344, 1 {pack_format = #tpu.pack_format<interleaved>} : vector<32xbf16> -> vector<16xf32>
          %mul3A_347 = arith.mulf %unpack3A_342, %unpack3A_345 : vector<16xf32>
          %add3A_348 = arith.addf %add3A_333, %mul3A_347 : vector<16xf32>
          %mul3A_349 = arith.mulf %unpack3A_343, %unpack3A_346 : vector<16xf32>
          %add3A_350 = arith.addf %add3A_335, %mul3A_349 : vector<16xf32>
          %add3A_351 = arith.constant 6 : i32
          %add3A_352 = vector.broadcast %add3A_351 : i32 to vector<16xi32>
          %add3A_353 = arith.addi %scan3A_263, %add3A_352 : vector<16xi32>
          %gather3A_354 = tpu.vector_load_idx %arg10[%add3A_240, %add3A_353] : memref<320x64xi32, #tpu.memory_space<vmem>>[vector<16xi32>, vector<16xi32>], vector<16xi32>,
          %gather3A_355 = tpu.vector_load_idx %arg11[%add3A_240, %add3A_353] : memref<320x64xi32, #tpu.memory_space<vmem>>[vector<16xi32>, vector<16xi32>], vector<16xi32>,
          %bitcast3A_356 = vector.bitcast %gather3A_354 : vector<16xi32> to vector<32xbf16>
          %unpack3A_357 = tpu.unpack_subelements %bitcast3A_356, 0 {pack_format = #tpu.pack_format<interleaved>} : vector<32xbf16> -> vector<16xf32>
          %unpack3A_358 = tpu.unpack_subelements %bitcast3A_356, 1 {pack_format = #tpu.pack_format<interleaved>} : vector<32xbf16> -> vector<16xf32>
          %bitcast3A_359 = vector.bitcast %gather3A_355 : vector<16xi32> to vector<32xbf16>
          %unpack3A_360 = tpu.unpack_subelements %bitcast3A_359, 0 {pack_format = #tpu.pack_format<interleaved>} : vector<32xbf16> -> vector<16xf32>
          %unpack3A_361 = tpu.unpack_subelements %bitcast3A_359, 1 {pack_format = #tpu.pack_format<interleaved>} : vector<32xbf16> -> vector<16xf32>
          %mul3A_362 = arith.mulf %unpack3A_357, %unpack3A_360 : vector<16xf32>
          %add3A_363 = arith.addf %add3A_348, %mul3A_362 : vector<16xf32>
          %mul3A_364 = arith.mulf %unpack3A_358, %unpack3A_361 : vector<16xf32>
          %add3A_365 = arith.addf %add3A_350, %mul3A_364 : vector<16xf32>
          %add3A_366 = arith.constant 7 : i32
          %add3A_367 = vector.broadcast %add3A_366 : i32 to vector<16xi32>
          %add3A_368 = arith.addi %scan3A_263, %add3A_367 : vector<16xi32>
          %gather3A_369 = tpu.vector_load_idx %arg10[%add3A_240, %add3A_368] : memref<320x64xi32, #tpu.memory_space<vmem>>[vector<16xi32>, vector<16xi32>], vector<16xi32>,
          %gather3A_370 = tpu.vector_load_idx %arg11[%add3A_240, %add3A_368] : memref<320x64xi32, #tpu.memory_space<vmem>>[vector<16xi32>, vector<16xi32>], vector<16xi32>,
          %bitcast3A_371 = vector.bitcast %gather3A_369 : vector<16xi32> to vector<32xbf16>
          %unpack3A_372 = tpu.unpack_subelements %bitcast3A_371, 0 {pack_format = #tpu.pack_format<interleaved>} : vector<32xbf16> -> vector<16xf32>
          %unpack3A_373 = tpu.unpack_subelements %bitcast3A_371, 1 {pack_format = #tpu.pack_format<interleaved>} : vector<32xbf16> -> vector<16xf32>
          %bitcast3A_374 = vector.bitcast %gather3A_370 : vector<16xi32> to vector<32xbf16>
          %unpack3A_375 = tpu.unpack_subelements %bitcast3A_374, 0 {pack_format = #tpu.pack_format<interleaved>} : vector<32xbf16> -> vector<16xf32>
          %unpack3A_376 = tpu.unpack_subelements %bitcast3A_374, 1 {pack_format = #tpu.pack_format<interleaved>} : vector<32xbf16> -> vector<16xf32>
          %mul3A_377 = arith.mulf %unpack3A_372, %unpack3A_375 : vector<16xf32>
          %add3A_378 = arith.addf %add3A_363, %mul3A_377 : vector<16xf32>
          %mul3A_379 = arith.mulf %unpack3A_373, %unpack3A_376 : vector<16xf32>
          %add3A_380 = arith.addf %add3A_365, %mul3A_379 : vector<16xf32>
          %add3A_381 = arith.constant 8 : i32
          %add3A_382 = vector.broadcast %add3A_381 : i32 to vector<16xi32>
          %add3A_383 = arith.addi %scan3A_263, %add3A_382 : vector<16xi32>
          scf.yield %add3A_378, %add3A_380, %add3A_383 : vector<16xf32>, vector<16xf32>, vector<16xi32>
        }
        %scan3A_251 = arith.constant 8 : i32
        %add3A_252 = arith.addf %scan3A_250#0, %scan3A_250#1 : vector<16xf32>
        %mul3A_253 = arith.constant 80 : i32
        %mul3A_254 = arith.muli %add3A_133, %mul3A_253 : i32
        %mul3A_255 = arith.constant 16 : i32
        %mul3A_256 = arith.muli %scan3A_233, %mul3A_255 : i32
        %add3A_257 = arith.addi %mul3A_254, %mul3A_256 : i32
        %swap3A = arith.index_cast %add3A_257 : i32 to index
        %swap3A_258 = tpu.vector_load %arg9[%swap3A] {strides = array<i32>} : memref<10000xf32, #tpu.memory_space<vmem>>, vector<16xf32>,
        tpu.vector_store %arg9[%swap3A], %add3A_252 {strides = array<i32>} : memref<10000xf32, #tpu.memory_space<vmem>>, vector<16xf32>,
        %scan3A_259 = arith.constant 0 : i32
        scf.yield %scan3A_259 : i32
      }
      %scan3A_156 = arith.constant 5 : i32
      %add3A_157 = arith.constant 4 : i32
      %add3A_158 = arith.addi %add3A_133, %add3A_157 : i32
      %lt3A_159 = arith.constant 125 : i32
      %lt3A_160 = arith.cmpi slt, %add3A_158, %lt3A_159 : i32
      %convert_element_type3A_161 = arith.extui %lt3A_160 : i1 to i32
      %cond3A_162 = arith.constant 0 : i32
      %cond3A_163 = arith.cmpi ne, %convert_element_type3A_161, %cond3A_162 : i32
      scf.if %cond3A_163 {
        %add3A_233 = arith.constant 4 : i32
        %add3A_234 = arith.addi %add3A_133, %add3A_233 : i32
        %mul3A_235 = arith.constant 80 : i32
        %mul3A_236 = arith.muli %add3A_234, %mul3A_235 : i32
        %dma_start3A_237 = arith.constant 80 : i32
        %dma_start3A_238 = arith.constant 0 : i32
        %dma_start3A_239 = tpu.memref_slice %arg10[%dma_start3A_237, %dma_start3A_238] : memref<320x64xi32, #tpu.memory_space<vmem>> -> memref<80x64xi32, #tpu.memory_space<vmem>>
        %dma_start3A_240 = tpu.memref_slice %arg7[%mul3A_236] : memref<10000xi32, #tpu.memory_space<vmem>> -> memref<80xi32, #tpu.memory_space<vmem>>
        %dma_start3A_241 = arith.constant 0 : i32
        %dma_start3A_242 = arith.constant 0 : i32
        %dma_start3A_243 = tpu.memref_slice %arg2[%dma_start3A_241, %dma_start3A_242] : memref<100000x64xi32, #tpu.memory_space<hbm>> -> memref<100000x64xi32, #tpu.memory_space<hbm>>
        tpu.enqueue_indirect_dma source(%dma_start3A_243 : memref<100000x64xi32, #tpu.memory_space<hbm>>) target(%dma_start3A_239 : memref<80x64xi32, #tpu.memory_space<vmem>>) offsets(%dma_start3A_240 : memref<80xi32, #tpu.memory_space<vmem>>) semaphore(%arg13 : memref<!tpu.dma_semaphore, #tpu.memory_space<semaphore_mem>>)
        %dma_start3A_244 = arith.constant 80 : i32
        %dma_start3A_245 = arith.constant 0 : i32
        %dma_start3A_246 = tpu.memref_slice %arg11[%dma_start3A_244, %dma_start3A_245] : memref<320x64xi32, #tpu.memory_space<vmem>> -> memref<80x64xi32, #tpu.memory_space<vmem>>
        %dma_start3A_247 = tpu.memref_slice %arg8[%mul3A_236] : memref<10000xi32, #tpu.memory_space<vmem>> -> memref<80xi32, #tpu.memory_space<vmem>>
        %dma_start3A_248 = arith.constant 0 : i32
        %dma_start3A_249 = arith.constant 0 : i32
        %dma_start3A_250 = tpu.memref_slice %arg3[%dma_start3A_248, %dma_start3A_249] : memref<100000x64xi32, #tpu.memory_space<hbm>> -> memref<100000x64xi32, #tpu.memory_space<hbm>>
        tpu.enqueue_indirect_dma source(%dma_start3A_250 : memref<100000x64xi32, #tpu.memory_space<hbm>>) target(%dma_start3A_246 : memref<80x64xi32, #tpu.memory_space<vmem>>) offsets(%dma_start3A_247 : memref<80xi32, #tpu.memory_space<vmem>>) semaphore(%arg17 : memref<!tpu.dma_semaphore, #tpu.memory_space<semaphore_mem>>)
      } else {
      }
      %mul3A_164 = arith.constant 4 : i32
      %mul3A_165 = arith.muli %scan3A_97, %mul3A_164 : i32
      %add3A_166 = arith.constant 2 : i32
      %add3A_167 = arith.addi %mul3A_165, %add3A_166 : i32
      %dma_wait3A_168 = arith.constant 160 : i32
      %dma_wait3A_169 = arith.constant 0 : i32
      %dma_wait3A_170 = tpu.memref_slice %arg10[%dma_wait3A_168, %dma_wait3A_169] : memref<320x64xi32, #tpu.memory_space<vmem>> -> memref<80x64xi32, #tpu.memory_space<vmem>>
      %dma_wait3A_171 = arith.constant 0 : i32
      %dma_wait3A_172 = tpu.memref_slice %arg7[%dma_wait3A_171] : memref<10000xi32, #tpu.memory_space<vmem>> -> memref<80xi32, #tpu.memory_space<vmem>>
      %dma_wait3A_173 = arith.constant 0 : i32
      %dma_wait3A_174 = arith.constant 0 : i32
      %dma_wait3A_175 = tpu.memref_slice %arg2[%dma_wait3A_173, %dma_wait3A_174] : memref<100000x64xi32, #tpu.memory_space<hbm>> -> memref<100000x64xi32, #tpu.memory_space<hbm>>
      tpu.wait_indirect_dma semaphore(%arg14 : memref<!tpu.dma_semaphore, #tpu.memory_space<semaphore_mem>>) src(%dma_wait3A_175 : memref<100000x64xi32, #tpu.memory_space<hbm>>) dst(%dma_wait3A_170 : memref<80x64xi32, #tpu.memory_space<vmem>>)
      %dma_wait3A_176 = arith.constant 160 : i32
      %dma_wait3A_177 = arith.constant 0 : i32
      %dma_wait3A_178 = tpu.memref_slice %arg11[%dma_wait3A_176, %dma_wait3A_177] : memref<320x64xi32, #tpu.memory_space<vmem>> -> memref<80x64xi32, #tpu.memory_space<vmem>>
      %dma_wait3A_179 = arith.constant 0 : i32
      %dma_wait3A_180 = tpu.memref_slice %arg7[%dma_wait3A_179] : memref<10000xi32, #tpu.memory_space<vmem>> -> memref<80xi32, #tpu.memory_space<vmem>>
      %dma_wait3A_181 = arith.constant 0 : i32
      %dma_wait3A_182 = arith.constant 0 : i32
      %dma_wait3A_183 = tpu.memref_slice %arg3[%dma_wait3A_181, %dma_wait3A_182] : memref<100000x64xi32, #tpu.memory_space<hbm>> -> memref<100000x64xi32, #tpu.memory_space<hbm>>
      tpu.wait_indirect_dma semaphore(%arg18 : memref<!tpu.dma_semaphore, #tpu.memory_space<semaphore_mem>>) src(%dma_wait3A_183 : memref<100000x64xi32, #tpu.memory_space<hbm>>) dst(%dma_wait3A_178 : memref<80x64xi32, #tpu.memory_space<vmem>>)
      %scan3A_184 = arith.constant 0 : i32
      %scan3A_185 = arith.constant 0 : i32
      %scan3A_186 = arith.constant 5 : i32
      %scan3A_187 = arith.addi %scan3A_185, %scan3A_186 : i32
      %scan3A_188 = arith.constant 1 : i32
      %scan3A_189 = scf.for %scan3A_233 = %scan3A_185 to %scan3A_187 step %scan3A_188 iter_args(%scan3A_234 = %scan3A_184) -> (i32)  : i32 {
        %mul3A_235 = arith.constant 16 : i32
        %mul3A_236 = arith.muli %scan3A_233, %mul3A_235 : i32
        %add3A_237 = arith.constant 160 : i32
        %add3A_238 = arith.addi %add3A_237, %mul3A_236 : i32
        %add3A_239 = vector.broadcast %add3A_238 : i32 to vector<16xi32>
        %add3A_240 = arith.addi %add3A_239, %iota3A : vector<16xi32>
        %broadcast_in_dim3A = arith.constant 0.000000e+00 : f32
        %broadcast_in_dim3A_241 = vector.broadcast %broadcast_in_dim3A : f32 to vector<16xf32>
        %broadcast_in_dim3A_242 = arith.constant 0.000000e+00 : f32
        %broadcast_in_dim3A_243 = vector.broadcast %broadcast_in_dim3A_242 : f32 to vector<16xf32>
        %broadcast_in_dim3A_244 = arith.constant 0 : i32
        %broadcast_in_dim3A_245 = vector.broadcast %broadcast_in_dim3A_244 : i32 to vector<16xi32>
        %scan3A_246 = arith.constant 0 : i32
        %scan3A_247 = arith.constant 8 : i32
        %scan3A_248 = arith.addi %scan3A_246, %scan3A_247 : i32
        %scan3A_249 = arith.constant 1 : i32
        %scan3A_250:3 = scf.for %scan3A_260 = %scan3A_246 to %scan3A_248 step %scan3A_249 iter_args(%scan3A_261 = %broadcast_in_dim3A_241, %scan3A_262 = %broadcast_in_dim3A_243, %scan3A_263 = %broadcast_in_dim3A_245) -> (vector<16xf32>, vector<16xf32>, vector<16xi32>)  : i32 {
          %add3A_264 = arith.constant 0 : i32
          %add3A_265 = vector.broadcast %add3A_264 : i32 to vector<16xi32>
          %add3A_266 = arith.addi %scan3A_263, %add3A_265 : vector<16xi32>
          %gather3A = tpu.vector_load_idx %arg10[%add3A_240, %add3A_266] : memref<320x64xi32, #tpu.memory_space<vmem>>[vector<16xi32>, vector<16xi32>], vector<16xi32>,
          %gather3A_267 = tpu.vector_load_idx %arg11[%add3A_240, %add3A_266] : memref<320x64xi32, #tpu.memory_space<vmem>>[vector<16xi32>, vector<16xi32>], vector<16xi32>,
          %bitcast3A = vector.bitcast %gather3A : vector<16xi32> to vector<32xbf16>
          %unpack3A = tpu.unpack_subelements %bitcast3A, 0 {pack_format = #tpu.pack_format<interleaved>} : vector<32xbf16> -> vector<16xf32>
          %unpack3A_268 = tpu.unpack_subelements %bitcast3A, 1 {pack_format = #tpu.pack_format<interleaved>} : vector<32xbf16> -> vector<16xf32>
          %bitcast3A_269 = vector.bitcast %gather3A_267 : vector<16xi32> to vector<32xbf16>
          %unpack3A_270 = tpu.unpack_subelements %bitcast3A_269, 0 {pack_format = #tpu.pack_format<interleaved>} : vector<32xbf16> -> vector<16xf32>
          %unpack3A_271 = tpu.unpack_subelements %bitcast3A_269, 1 {pack_format = #tpu.pack_format<interleaved>} : vector<32xbf16> -> vector<16xf32>
          %mul3A_272 = arith.mulf %unpack3A, %unpack3A_270 : vector<16xf32>
          %add3A_273 = arith.addf %scan3A_261, %mul3A_272 : vector<16xf32>
          %mul3A_274 = arith.mulf %unpack3A_268, %unpack3A_271 : vector<16xf32>
          %add3A_275 = arith.addf %scan3A_262, %mul3A_274 : vector<16xf32>
          %add3A_276 = arith.constant 1 : i32
          %add3A_277 = vector.broadcast %add3A_276 : i32 to vector<16xi32>
          %add3A_278 = arith.addi %scan3A_263, %add3A_277 : vector<16xi32>
          %gather3A_279 = tpu.vector_load_idx %arg10[%add3A_240, %add3A_278] : memref<320x64xi32, #tpu.memory_space<vmem>>[vector<16xi32>, vector<16xi32>], vector<16xi32>,
          %gather3A_280 = tpu.vector_load_idx %arg11[%add3A_240, %add3A_278] : memref<320x64xi32, #tpu.memory_space<vmem>>[vector<16xi32>, vector<16xi32>], vector<16xi32>,
          %bitcast3A_281 = vector.bitcast %gather3A_279 : vector<16xi32> to vector<32xbf16>
          %unpack3A_282 = tpu.unpack_subelements %bitcast3A_281, 0 {pack_format = #tpu.pack_format<interleaved>} : vector<32xbf16> -> vector<16xf32>
          %unpack3A_283 = tpu.unpack_subelements %bitcast3A_281, 1 {pack_format = #tpu.pack_format<interleaved>} : vector<32xbf16> -> vector<16xf32>
          %bitcast3A_284 = vector.bitcast %gather3A_280 : vector<16xi32> to vector<32xbf16>
          %unpack3A_285 = tpu.unpack_subelements %bitcast3A_284, 0 {pack_format = #tpu.pack_format<interleaved>} : vector<32xbf16> -> vector<16xf32>
          %unpack3A_286 = tpu.unpack_subelements %bitcast3A_284, 1 {pack_format = #tpu.pack_format<interleaved>} : vector<32xbf16> -> vector<16xf32>
          %mul3A_287 = arith.mulf %unpack3A_282, %unpack3A_285 : vector<16xf32>
          %add3A_288 = arith.addf %add3A_273, %mul3A_287 : vector<16xf32>
          %mul3A_289 = arith.mulf %unpack3A_283, %unpack3A_286 : vector<16xf32>
          %add3A_290 = arith.addf %add3A_275, %mul3A_289 : vector<16xf32>
          %add3A_291 = arith.constant 2 : i32
          %add3A_292 = vector.broadcast %add3A_291 : i32 to vector<16xi32>
          %add3A_293 = arith.addi %scan3A_263, %add3A_292 : vector<16xi32>
          %gather3A_294 = tpu.vector_load_idx %arg10[%add3A_240, %add3A_293] : memref<320x64xi32, #tpu.memory_space<vmem>>[vector<16xi32>, vector<16xi32>], vector<16xi32>,
          %gather3A_295 = tpu.vector_load_idx %arg11[%add3A_240, %add3A_293] : memref<320x64xi32, #tpu.memory_space<vmem>>[vector<16xi32>, vector<16xi32>], vector<16xi32>,
          %bitcast3A_296 = vector.bitcast %gather3A_294 : vector<16xi32> to vector<32xbf16>
          %unpack3A_297 = tpu.unpack_subelements %bitcast3A_296, 0 {pack_format = #tpu.pack_format<interleaved>} : vector<32xbf16> -> vector<16xf32>
          %unpack3A_298 = tpu.unpack_subelements %bitcast3A_296, 1 {pack_format = #tpu.pack_format<interleaved>} : vector<32xbf16> -> vector<16xf32>
          %bitcast3A_299 = vector.bitcast %gather3A_295 : vector<16xi32> to vector<32xbf16>
          %unpack3A_300 = tpu.unpack_subelements %bitcast3A_299, 0 {pack_format = #tpu.pack_format<interleaved>} : vector<32xbf16> -> vector<16xf32>
          %unpack3A_301 = tpu.unpack_subelements %bitcast3A_299, 1 {pack_format = #tpu.pack_format<interleaved>} : vector<32xbf16> -> vector<16xf32>
          %mul3A_302 = arith.mulf %unpack3A_297, %unpack3A_300 : vector<16xf32>
          %add3A_303 = arith.addf %add3A_288, %mul3A_302 : vector<16xf32>
          %mul3A_304 = arith.mulf %unpack3A_298, %unpack3A_301 : vector<16xf32>
          %add3A_305 = arith.addf %add3A_290, %mul3A_304 : vector<16xf32>
          %add3A_306 = arith.constant 3 : i32
          %add3A_307 = vector.broadcast %add3A_306 : i32 to vector<16xi32>
          %add3A_308 = arith.addi %scan3A_263, %add3A_307 : vector<16xi32>
          %gather3A_309 = tpu.vector_load_idx %arg10[%add3A_240, %add3A_308] : memref<320x64xi32, #tpu.memory_space<vmem>>[vector<16xi32>, vector<16xi32>], vector<16xi32>,
          %gather3A_310 = tpu.vector_load_idx %arg11[%add3A_240, %add3A_308] : memref<320x64xi32, #tpu.memory_space<vmem>>[vector<16xi32>, vector<16xi32>], vector<16xi32>,
          %bitcast3A_311 = vector.bitcast %gather3A_309 : vector<16xi32> to vector<32xbf16>
          %unpack3A_312 = tpu.unpack_subelements %bitcast3A_311, 0 {pack_format = #tpu.pack_format<interleaved>} : vector<32xbf16> -> vector<16xf32>
          %unpack3A_313 = tpu.unpack_subelements %bitcast3A_311, 1 {pack_format = #tpu.pack_format<interleaved>} : vector<32xbf16> -> vector<16xf32>
          %bitcast3A_314 = vector.bitcast %gather3A_310 : vector<16xi32> to vector<32xbf16>
          %unpack3A_315 = tpu.unpack_subelements %bitcast3A_314, 0 {pack_format = #tpu.pack_format<interleaved>} : vector<32xbf16> -> vector<16xf32>
          %unpack3A_316 = tpu.unpack_subelements %bitcast3A_314, 1 {pack_format = #tpu.pack_format<interleaved>} : vector<32xbf16> -> vector<16xf32>
          %mul3A_317 = arith.mulf %unpack3A_312, %unpack3A_315 : vector<16xf32>
          %add3A_318 = arith.addf %add3A_303, %mul3A_317 : vector<16xf32>
          %mul3A_319 = arith.mulf %unpack3A_313, %unpack3A_316 : vector<16xf32>
          %add3A_320 = arith.addf %add3A_305, %mul3A_319 : vector<16xf32>
          %add3A_321 = arith.constant 4 : i32
          %add3A_322 = vector.broadcast %add3A_321 : i32 to vector<16xi32>
          %add3A_323 = arith.addi %scan3A_263, %add3A_322 : vector<16xi32>
          %gather3A_324 = tpu.vector_load_idx %arg10[%add3A_240, %add3A_323] : memref<320x64xi32, #tpu.memory_space<vmem>>[vector<16xi32>, vector<16xi32>], vector<16xi32>,
          %gather3A_325 = tpu.vector_load_idx %arg11[%add3A_240, %add3A_323] : memref<320x64xi32, #tpu.memory_space<vmem>>[vector<16xi32>, vector<16xi32>], vector<16xi32>,
          %bitcast3A_326 = vector.bitcast %gather3A_324 : vector<16xi32> to vector<32xbf16>
          %unpack3A_327 = tpu.unpack_subelements %bitcast3A_326, 0 {pack_format = #tpu.pack_format<interleaved>} : vector<32xbf16> -> vector<16xf32>
          %unpack3A_328 = tpu.unpack_subelements %bitcast3A_326, 1 {pack_format = #tpu.pack_format<interleaved>} : vector<32xbf16> -> vector<16xf32>
          %bitcast3A_329 = vector.bitcast %gather3A_325 : vector<16xi32> to vector<32xbf16>
          %unpack3A_330 = tpu.unpack_subelements %bitcast3A_329, 0 {pack_format = #tpu.pack_format<interleaved>} : vector<32xbf16> -> vector<16xf32>
          %unpack3A_331 = tpu.unpack_subelements %bitcast3A_329, 1 {pack_format = #tpu.pack_format<interleaved>} : vector<32xbf16> -> vector<16xf32>
          %mul3A_332 = arith.mulf %unpack3A_327, %unpack3A_330 : vector<16xf32>
          %add3A_333 = arith.addf %add3A_318, %mul3A_332 : vector<16xf32>
          %mul3A_334 = arith.mulf %unpack3A_328, %unpack3A_331 : vector<16xf32>
          %add3A_335 = arith.addf %add3A_320, %mul3A_334 : vector<16xf32>
          %add3A_336 = arith.constant 5 : i32
          %add3A_337 = vector.broadcast %add3A_336 : i32 to vector<16xi32>
          %add3A_338 = arith.addi %scan3A_263, %add3A_337 : vector<16xi32>
          %gather3A_339 = tpu.vector_load_idx %arg10[%add3A_240, %add3A_338] : memref<320x64xi32, #tpu.memory_space<vmem>>[vector<16xi32>, vector<16xi32>], vector<16xi32>,
          %gather3A_340 = tpu.vector_load_idx %arg11[%add3A_240, %add3A_338] : memref<320x64xi32, #tpu.memory_space<vmem>>[vector<16xi32>, vector<16xi32>], vector<16xi32>,
          %bitcast3A_341 = vector.bitcast %gather3A_339 : vector<16xi32> to vector<32xbf16>
          %unpack3A_342 = tpu.unpack_subelements %bitcast3A_341, 0 {pack_format = #tpu.pack_format<interleaved>} : vector<32xbf16> -> vector<16xf32>
          %unpack3A_343 = tpu.unpack_subelements %bitcast3A_341, 1 {pack_format = #tpu.pack_format<interleaved>} : vector<32xbf16> -> vector<16xf32>
          %bitcast3A_344 = vector.bitcast %gather3A_340 : vector<16xi32> to vector<32xbf16>
          %unpack3A_345 = tpu.unpack_subelements %bitcast3A_344, 0 {pack_format = #tpu.pack_format<interleaved>} : vector<32xbf16> -> vector<16xf32>
          %unpack3A_346 = tpu.unpack_subelements %bitcast3A_344, 1 {pack_format = #tpu.pack_format<interleaved>} : vector<32xbf16> -> vector<16xf32>
          %mul3A_347 = arith.mulf %unpack3A_342, %unpack3A_345 : vector<16xf32>
          %add3A_348 = arith.addf %add3A_333, %mul3A_347 : vector<16xf32>
          %mul3A_349 = arith.mulf %unpack3A_343, %unpack3A_346 : vector<16xf32>
          %add3A_350 = arith.addf %add3A_335, %mul3A_349 : vector<16xf32>
          %add3A_351 = arith.constant 6 : i32
          %add3A_352 = vector.broadcast %add3A_351 : i32 to vector<16xi32>
          %add3A_353 = arith.addi %scan3A_263, %add3A_352 : vector<16xi32>
          %gather3A_354 = tpu.vector_load_idx %arg10[%add3A_240, %add3A_353] : memref<320x64xi32, #tpu.memory_space<vmem>>[vector<16xi32>, vector<16xi32>], vector<16xi32>,
          %gather3A_355 = tpu.vector_load_idx %arg11[%add3A_240, %add3A_353] : memref<320x64xi32, #tpu.memory_space<vmem>>[vector<16xi32>, vector<16xi32>], vector<16xi32>,
          %bitcast3A_356 = vector.bitcast %gather3A_354 : vector<16xi32> to vector<32xbf16>
          %unpack3A_357 = tpu.unpack_subelements %bitcast3A_356, 0 {pack_format = #tpu.pack_format<interleaved>} : vector<32xbf16> -> vector<16xf32>
          %unpack3A_358 = tpu.unpack_subelements %bitcast3A_356, 1 {pack_format = #tpu.pack_format<interleaved>} : vector<32xbf16> -> vector<16xf32>
          %bitcast3A_359 = vector.bitcast %gather3A_355 : vector<16xi32> to vector<32xbf16>
          %unpack3A_360 = tpu.unpack_subelements %bitcast3A_359, 0 {pack_format = #tpu.pack_format<interleaved>} : vector<32xbf16> -> vector<16xf32>
          %unpack3A_361 = tpu.unpack_subelements %bitcast3A_359, 1 {pack_format = #tpu.pack_format<interleaved>} : vector<32xbf16> -> vector<16xf32>
          %mul3A_362 = arith.mulf %unpack3A_357, %unpack3A_360 : vector<16xf32>
          %add3A_363 = arith.addf %add3A_348, %mul3A_362 : vector<16xf32>
          %mul3A_364 = arith.mulf %unpack3A_358, %unpack3A_361 : vector<16xf32>
          %add3A_365 = arith.addf %add3A_350, %mul3A_364 : vector<16xf32>
          %add3A_366 = arith.constant 7 : i32
          %add3A_367 = vector.broadcast %add3A_366 : i32 to vector<16xi32>
          %add3A_368 = arith.addi %scan3A_263, %add3A_367 : vector<16xi32>
          %gather3A_369 = tpu.vector_load_idx %arg10[%add3A_240, %add3A_368] : memref<320x64xi32, #tpu.memory_space<vmem>>[vector<16xi32>, vector<16xi32>], vector<16xi32>,
          %gather3A_370 = tpu.vector_load_idx %arg11[%add3A_240, %add3A_368] : memref<320x64xi32, #tpu.memory_space<vmem>>[vector<16xi32>, vector<16xi32>], vector<16xi32>,
          %bitcast3A_371 = vector.bitcast %gather3A_369 : vector<16xi32> to vector<32xbf16>
          %unpack3A_372 = tpu.unpack_subelements %bitcast3A_371, 0 {pack_format = #tpu.pack_format<interleaved>} : vector<32xbf16> -> vector<16xf32>
          %unpack3A_373 = tpu.unpack_subelements %bitcast3A_371, 1 {pack_format = #tpu.pack_format<interleaved>} : vector<32xbf16> -> vector<16xf32>
          %bitcast3A_374 = vector.bitcast %gather3A_370 : vector<16xi32> to vector<32xbf16>
          %unpack3A_375 = tpu.unpack_subelements %bitcast3A_374, 0 {pack_format = #tpu.pack_format<interleaved>} : vector<32xbf16> -> vector<16xf32>
          %unpack3A_376 = tpu.unpack_subelements %bitcast3A_374, 1 {pack_format = #tpu.pack_format<interleaved>} : vector<32xbf16> -> vector<16xf32>
          %mul3A_377 = arith.mulf %unpack3A_372, %unpack3A_375 : vector<16xf32>
          %add3A_378 = arith.addf %add3A_363, %mul3A_377 : vector<16xf32>
          %mul3A_379 = arith.mulf %unpack3A_373, %unpack3A_376 : vector<16xf32>
          %add3A_380 = arith.addf %add3A_365, %mul3A_379 : vector<16xf32>
          %add3A_381 = arith.constant 8 : i32
          %add3A_382 = vector.broadcast %add3A_381 : i32 to vector<16xi32>
          %add3A_383 = arith.addi %scan3A_263, %add3A_382 : vector<16xi32>
          scf.yield %add3A_378, %add3A_380, %add3A_383 : vector<16xf32>, vector<16xf32>, vector<16xi32>
        }
        %scan3A_251 = arith.constant 8 : i32
        %add3A_252 = arith.addf %scan3A_250#0, %scan3A_250#1 : vector<16xf32>
        %mul3A_253 = arith.constant 80 : i32
        %mul3A_254 = arith.muli %add3A_167, %mul3A_253 : i32
        %mul3A_255 = arith.constant 16 : i32
        %mul3A_256 = arith.muli %scan3A_233, %mul3A_255 : i32
        %add3A_257 = arith.addi %mul3A_254, %mul3A_256 : i32
        %swap3A = arith.index_cast %add3A_257 : i32 to index
        %swap3A_258 = tpu.vector_load %arg9[%swap3A] {strides = array<i32>} : memref<10000xf32, #tpu.memory_space<vmem>>, vector<16xf32>,
        tpu.vector_store %arg9[%swap3A], %add3A_252 {strides = array<i32>} : memref<10000xf32, #tpu.memory_space<vmem>>, vector<16xf32>,
        %scan3A_259 = arith.constant 0 : i32
        scf.yield %scan3A_259 : i32
      }
      %scan3A_190 = arith.constant 5 : i32
      %add3A_191 = arith.constant 4 : i32
      %add3A_192 = arith.addi %add3A_167, %add3A_191 : i32
      %lt3A_193 = arith.constant 125 : i32
      %lt3A_194 = arith.cmpi slt, %add3A_192, %lt3A_193 : i32
      %convert_element_type3A_195 = arith.extui %lt3A_194 : i1 to i32
      %cond3A_196 = arith.constant 0 : i32
      %cond3A_197 = arith.cmpi ne, %convert_element_type3A_195, %cond3A_196 : i32
      scf.if %cond3A_197 {
        %add3A_233 = arith.constant 4 : i32
        %add3A_234 = arith.addi %add3A_167, %add3A_233 : i32
        %mul3A_235 = arith.constant 80 : i32
        %mul3A_236 = arith.muli %add3A_234, %mul3A_235 : i32
        %dma_start3A_237 = arith.constant 160 : i32
        %dma_start3A_238 = arith.constant 0 : i32
        %dma_start3A_239 = tpu.memref_slice %arg10[%dma_start3A_237, %dma_start3A_238] : memref<320x64xi32, #tpu.memory_space<vmem>> -> memref<80x64xi32, #tpu.memory_space<vmem>>
        %dma_start3A_240 = tpu.memref_slice %arg7[%mul3A_236] : memref<10000xi32, #tpu.memory_space<vmem>> -> memref<80xi32, #tpu.memory_space<vmem>>
        %dma_start3A_241 = arith.constant 0 : i32
        %dma_start3A_242 = arith.constant 0 : i32
        %dma_start3A_243 = tpu.memref_slice %arg2[%dma_start3A_241, %dma_start3A_242] : memref<100000x64xi32, #tpu.memory_space<hbm>> -> memref<100000x64xi32, #tpu.memory_space<hbm>>
        tpu.enqueue_indirect_dma source(%dma_start3A_243 : memref<100000x64xi32, #tpu.memory_space<hbm>>) target(%dma_start3A_239 : memref<80x64xi32, #tpu.memory_space<vmem>>) offsets(%dma_start3A_240 : memref<80xi32, #tpu.memory_space<vmem>>) semaphore(%arg14 : memref<!tpu.dma_semaphore, #tpu.memory_space<semaphore_mem>>)
        %dma_start3A_244 = arith.constant 160 : i32
        %dma_start3A_245 = arith.constant 0 : i32
        %dma_start3A_246 = tpu.memref_slice %arg11[%dma_start3A_244, %dma_start3A_245] : memref<320x64xi32, #tpu.memory_space<vmem>> -> memref<80x64xi32, #tpu.memory_space<vmem>>
        %dma_start3A_247 = tpu.memref_slice %arg8[%mul3A_236] : memref<10000xi32, #tpu.memory_space<vmem>> -> memref<80xi32, #tpu.memory_space<vmem>>
        %dma_start3A_248 = arith.constant 0 : i32
        %dma_start3A_249 = arith.constant 0 : i32
        %dma_start3A_250 = tpu.memref_slice %arg3[%dma_start3A_248, %dma_start3A_249] : memref<100000x64xi32, #tpu.memory_space<hbm>> -> memref<100000x64xi32, #tpu.memory_space<hbm>>
        tpu.enqueue_indirect_dma source(%dma_start3A_250 : memref<100000x64xi32, #tpu.memory_space<hbm>>) target(%dma_start3A_246 : memref<80x64xi32, #tpu.memory_space<vmem>>) offsets(%dma_start3A_247 : memref<80xi32, #tpu.memory_space<vmem>>) semaphore(%arg18 : memref<!tpu.dma_semaphore, #tpu.memory_space<semaphore_mem>>)
      } else {
      }
      %mul3A_198 = arith.constant 4 : i32
      %mul3A_199 = arith.muli %scan3A_97, %mul3A_198 : i32
      %add3A_200 = arith.constant 3 : i32
      %add3A_201 = arith.addi %mul3A_199, %add3A_200 : i32
      %dma_wait3A_202 = arith.constant 240 : i32
      %dma_wait3A_203 = arith.constant 0 : i32
      %dma_wait3A_204 = tpu.memref_slice %arg10[%dma_wait3A_202, %dma_wait3A_203] : memref<320x64xi32, #tpu.memory_space<vmem>> -> memref<80x64xi32, #tpu.memory_space<vmem>>
      %dma_wait3A_205 = arith.constant 0 : i32
      %dma_wait3A_206 = tpu.memref_slice %arg7[%dma_wait3A_205] : memref<10000xi32, #tpu.memory_space<vmem>> -> memref<80xi32, #tpu.memory_space<vmem>>
      %dma_wait3A_207 = arith.constant 0 : i32
      %dma_wait3A_208 = arith.constant 0 : i32
      %dma_wait3A_209 = tpu.memref_slice %arg2[%dma_wait3A_207, %dma_wait3A_208] : memref<100000x64xi32, #tpu.memory_space<hbm>> -> memref<100000x64xi32, #tpu.memory_space<hbm>>
      tpu.wait_indirect_dma semaphore(%arg15 : memref<!tpu.dma_semaphore, #tpu.memory_space<semaphore_mem>>) src(%dma_wait3A_209 : memref<100000x64xi32, #tpu.memory_space<hbm>>) dst(%dma_wait3A_204 : memref<80x64xi32, #tpu.memory_space<vmem>>)
      %dma_wait3A_210 = arith.constant 240 : i32
      %dma_wait3A_211 = arith.constant 0 : i32
      %dma_wait3A_212 = tpu.memref_slice %arg11[%dma_wait3A_210, %dma_wait3A_211] : memref<320x64xi32, #tpu.memory_space<vmem>> -> memref<80x64xi32, #tpu.memory_space<vmem>>
      %dma_wait3A_213 = arith.constant 0 : i32
      %dma_wait3A_214 = tpu.memref_slice %arg7[%dma_wait3A_213] : memref<10000xi32, #tpu.memory_space<vmem>> -> memref<80xi32, #tpu.memory_space<vmem>>
      %dma_wait3A_215 = arith.constant 0 : i32
      %dma_wait3A_216 = arith.constant 0 : i32
      %dma_wait3A_217 = tpu.memref_slice %arg3[%dma_wait3A_215, %dma_wait3A_216] : memref<100000x64xi32, #tpu.memory_space<hbm>> -> memref<100000x64xi32, #tpu.memory_space<hbm>>
      tpu.wait_indirect_dma semaphore(%arg19 : memref<!tpu.dma_semaphore, #tpu.memory_space<semaphore_mem>>) src(%dma_wait3A_217 : memref<100000x64xi32, #tpu.memory_space<hbm>>) dst(%dma_wait3A_212 : memref<80x64xi32, #tpu.memory_space<vmem>>)
      %scan3A_218 = arith.constant 0 : i32
      %scan3A_219 = arith.constant 0 : i32
      %scan3A_220 = arith.constant 5 : i32
      %scan3A_221 = arith.addi %scan3A_219, %scan3A_220 : i32
      %scan3A_222 = arith.constant 1 : i32
      %scan3A_223 = scf.for %scan3A_233 = %scan3A_219 to %scan3A_221 step %scan3A_222 iter_args(%scan3A_234 = %scan3A_218) -> (i32)  : i32 {
        %mul3A_235 = arith.constant 16 : i32
        %mul3A_236 = arith.muli %scan3A_233, %mul3A_235 : i32
        %add3A_237 = arith.constant 240 : i32
        %add3A_238 = arith.addi %add3A_237, %mul3A_236 : i32
        %add3A_239 = vector.broadcast %add3A_238 : i32 to vector<16xi32>
        %add3A_240 = arith.addi %add3A_239, %iota3A : vector<16xi32>
        %broadcast_in_dim3A = arith.constant 0.000000e+00 : f32
        %broadcast_in_dim3A_241 = vector.broadcast %broadcast_in_dim3A : f32 to vector<16xf32>
        %broadcast_in_dim3A_242 = arith.constant 0.000000e+00 : f32
        %broadcast_in_dim3A_243 = vector.broadcast %broadcast_in_dim3A_242 : f32 to vector<16xf32>
        %broadcast_in_dim3A_244 = arith.constant 0 : i32
        %broadcast_in_dim3A_245 = vector.broadcast %broadcast_in_dim3A_244 : i32 to vector<16xi32>
        %scan3A_246 = arith.constant 0 : i32
        %scan3A_247 = arith.constant 8 : i32
        %scan3A_248 = arith.addi %scan3A_246, %scan3A_247 : i32
        %scan3A_249 = arith.constant 1 : i32
        %scan3A_250:3 = scf.for %scan3A_260 = %scan3A_246 to %scan3A_248 step %scan3A_249 iter_args(%scan3A_261 = %broadcast_in_dim3A_241, %scan3A_262 = %broadcast_in_dim3A_243, %scan3A_263 = %broadcast_in_dim3A_245) -> (vector<16xf32>, vector<16xf32>, vector<16xi32>)  : i32 {
          %add3A_264 = arith.constant 0 : i32
          %add3A_265 = vector.broadcast %add3A_264 : i32 to vector<16xi32>
          %add3A_266 = arith.addi %scan3A_263, %add3A_265 : vector<16xi32>
          %gather3A = tpu.vector_load_idx %arg10[%add3A_240, %add3A_266] : memref<320x64xi32, #tpu.memory_space<vmem>>[vector<16xi32>, vector<16xi32>], vector<16xi32>,
          %gather3A_267 = tpu.vector_load_idx %arg11[%add3A_240, %add3A_266] : memref<320x64xi32, #tpu.memory_space<vmem>>[vector<16xi32>, vector<16xi32>], vector<16xi32>,
          %bitcast3A = vector.bitcast %gather3A : vector<16xi32> to vector<32xbf16>
          %unpack3A = tpu.unpack_subelements %bitcast3A, 0 {pack_format = #tpu.pack_format<interleaved>} : vector<32xbf16> -> vector<16xf32>
          %unpack3A_268 = tpu.unpack_subelements %bitcast3A, 1 {pack_format = #tpu.pack_format<interleaved>} : vector<32xbf16> -> vector<16xf32>
          %bitcast3A_269 = vector.bitcast %gather3A_267 : vector<16xi32> to vector<32xbf16>
          %unpack3A_270 = tpu.unpack_subelements %bitcast3A_269, 0 {pack_format = #tpu.pack_format<interleaved>} : vector<32xbf16> -> vector<16xf32>
          %unpack3A_271 = tpu.unpack_subelements %bitcast3A_269, 1 {pack_format = #tpu.pack_format<interleaved>} : vector<32xbf16> -> vector<16xf32>
          %mul3A_272 = arith.mulf %unpack3A, %unpack3A_270 : vector<16xf32>
          %add3A_273 = arith.addf %scan3A_261, %mul3A_272 : vector<16xf32>
          %mul3A_274 = arith.mulf %unpack3A_268, %unpack3A_271 : vector<16xf32>
          %add3A_275 = arith.addf %scan3A_262, %mul3A_274 : vector<16xf32>
          %add3A_276 = arith.constant 1 : i32
          %add3A_277 = vector.broadcast %add3A_276 : i32 to vector<16xi32>
          %add3A_278 = arith.addi %scan3A_263, %add3A_277 : vector<16xi32>
          %gather3A_279 = tpu.vector_load_idx %arg10[%add3A_240, %add3A_278] : memref<320x64xi32, #tpu.memory_space<vmem>>[vector<16xi32>, vector<16xi32>], vector<16xi32>,
          %gather3A_280 = tpu.vector_load_idx %arg11[%add3A_240, %add3A_278] : memref<320x64xi32, #tpu.memory_space<vmem>>[vector<16xi32>, vector<16xi32>], vector<16xi32>,
          %bitcast3A_281 = vector.bitcast %gather3A_279 : vector<16xi32> to vector<32xbf16>
          %unpack3A_282 = tpu.unpack_subelements %bitcast3A_281, 0 {pack_format = #tpu.pack_format<interleaved>} : vector<32xbf16> -> vector<16xf32>
          %unpack3A_283 = tpu.unpack_subelements %bitcast3A_281, 1 {pack_format = #tpu.pack_format<interleaved>} : vector<32xbf16> -> vector<16xf32>
          %bitcast3A_284 = vector.bitcast %gather3A_280 : vector<16xi32> to vector<32xbf16>
          %unpack3A_285 = tpu.unpack_subelements %bitcast3A_284, 0 {pack_format = #tpu.pack_format<interleaved>} : vector<32xbf16> -> vector<16xf32>
          %unpack3A_286 = tpu.unpack_subelements %bitcast3A_284, 1 {pack_format = #tpu.pack_format<interleaved>} : vector<32xbf16> -> vector<16xf32>
          %mul3A_287 = arith.mulf %unpack3A_282, %unpack3A_285 : vector<16xf32>
          %add3A_288 = arith.addf %add3A_273, %mul3A_287 : vector<16xf32>
          %mul3A_289 = arith.mulf %unpack3A_283, %unpack3A_286 : vector<16xf32>
          %add3A_290 = arith.addf %add3A_275, %mul3A_289 : vector<16xf32>
          %add3A_291 = arith.constant 2 : i32
          %add3A_292 = vector.broadcast %add3A_291 : i32 to vector<16xi32>
          %add3A_293 = arith.addi %scan3A_263, %add3A_292 : vector<16xi32>
          %gather3A_294 = tpu.vector_load_idx %arg10[%add3A_240, %add3A_293] : memref<320x64xi32, #tpu.memory_space<vmem>>[vector<16xi32>, vector<16xi32>], vector<16xi32>,
          %gather3A_295 = tpu.vector_load_idx %arg11[%add3A_240, %add3A_293] : memref<320x64xi32, #tpu.memory_space<vmem>>[vector<16xi32>, vector<16xi32>], vector<16xi32>,
          %bitcast3A_296 = vector.bitcast %gather3A_294 : vector<16xi32> to vector<32xbf16>
          %unpack3A_297 = tpu.unpack_subelements %bitcast3A_296, 0 {pack_format = #tpu.pack_format<interleaved>} : vector<32xbf16> -> vector<16xf32>
          %unpack3A_298 = tpu.unpack_subelements %bitcast3A_296, 1 {pack_format = #tpu.pack_format<interleaved>} : vector<32xbf16> -> vector<16xf32>
          %bitcast3A_299 = vector.bitcast %gather3A_295 : vector<16xi32> to vector<32xbf16>
          %unpack3A_300 = tpu.unpack_subelements %bitcast3A_299, 0 {pack_format = #tpu.pack_format<interleaved>} : vector<32xbf16> -> vector<16xf32>
          %unpack3A_301 = tpu.unpack_subelements %bitcast3A_299, 1 {pack_format = #tpu.pack_format<interleaved>} : vector<32xbf16> -> vector<16xf32>
          %mul3A_302 = arith.mulf %unpack3A_297, %unpack3A_300 : vector<16xf32>
          %add3A_303 = arith.addf %add3A_288, %mul3A_302 : vector<16xf32>
          %mul3A_304 = arith.mulf %unpack3A_298, %unpack3A_301 : vector<16xf32>
          %add3A_305 = arith.addf %add3A_290, %mul3A_304 : vector<16xf32>
          %add3A_306 = arith.constant 3 : i32
          %add3A_307 = vector.broadcast %add3A_306 : i32 to vector<16xi32>
          %add3A_308 = arith.addi %scan3A_263, %add3A_307 : vector<16xi32>
          %gather3A_309 = tpu.vector_load_idx %arg10[%add3A_240, %add3A_308] : memref<320x64xi32, #tpu.memory_space<vmem>>[vector<16xi32>, vector<16xi32>], vector<16xi32>,
          %gather3A_310 = tpu.vector_load_idx %arg11[%add3A_240, %add3A_308] : memref<320x64xi32, #tpu.memory_space<vmem>>[vector<16xi32>, vector<16xi32>], vector<16xi32>,
          %bitcast3A_311 = vector.bitcast %gather3A_309 : vector<16xi32> to vector<32xbf16>
          %unpack3A_312 = tpu.unpack_subelements %bitcast3A_311, 0 {pack_format = #tpu.pack_format<interleaved>} : vector<32xbf16> -> vector<16xf32>
          %unpack3A_313 = tpu.unpack_subelements %bitcast3A_311, 1 {pack_format = #tpu.pack_format<interleaved>} : vector<32xbf16> -> vector<16xf32>
          %bitcast3A_314 = vector.bitcast %gather3A_310 : vector<16xi32> to vector<32xbf16>
          %unpack3A_315 = tpu.unpack_subelements %bitcast3A_314, 0 {pack_format = #tpu.pack_format<interleaved>} : vector<32xbf16> -> vector<16xf32>
          %unpack3A_316 = tpu.unpack_subelements %bitcast3A_314, 1 {pack_format = #tpu.pack_format<interleaved>} : vector<32xbf16> -> vector<16xf32>
          %mul3A_317 = arith.mulf %unpack3A_312, %unpack3A_315 : vector<16xf32>
          %add3A_318 = arith.addf %add3A_303, %mul3A_317 : vector<16xf32>
          %mul3A_319 = arith.mulf %unpack3A_313, %unpack3A_316 : vector<16xf32>
          %add3A_320 = arith.addf %add3A_305, %mul3A_319 : vector<16xf32>
          %add3A_321 = arith.constant 4 : i32
          %add3A_322 = vector.broadcast %add3A_321 : i32 to vector<16xi32>
          %add3A_323 = arith.addi %scan3A_263, %add3A_322 : vector<16xi32>
          %gather3A_324 = tpu.vector_load_idx %arg10[%add3A_240, %add3A_323] : memref<320x64xi32, #tpu.memory_space<vmem>>[vector<16xi32>, vector<16xi32>], vector<16xi32>,
          %gather3A_325 = tpu.vector_load_idx %arg11[%add3A_240, %add3A_323] : memref<320x64xi32, #tpu.memory_space<vmem>>[vector<16xi32>, vector<16xi32>], vector<16xi32>,
          %bitcast3A_326 = vector.bitcast %gather3A_324 : vector<16xi32> to vector<32xbf16>
          %unpack3A_327 = tpu.unpack_subelements %bitcast3A_326, 0 {pack_format = #tpu.pack_format<interleaved>} : vector<32xbf16> -> vector<16xf32>
          %unpack3A_328 = tpu.unpack_subelements %bitcast3A_326, 1 {pack_format = #tpu.pack_format<interleaved>} : vector<32xbf16> -> vector<16xf32>
          %bitcast3A_329 = vector.bitcast %gather3A_325 : vector<16xi32> to vector<32xbf16>
          %unpack3A_330 = tpu.unpack_subelements %bitcast3A_329, 0 {pack_format = #tpu.pack_format<interleaved>} : vector<32xbf16> -> vector<16xf32>
          %unpack3A_331 = tpu.unpack_subelements %bitcast3A_329, 1 {pack_format = #tpu.pack_format<interleaved>} : vector<32xbf16> -> vector<16xf32>
          %mul3A_332 = arith.mulf %unpack3A_327, %unpack3A_330 : vector<16xf32>
          %add3A_333 = arith.addf %add3A_318, %mul3A_332 : vector<16xf32>
          %mul3A_334 = arith.mulf %unpack3A_328, %unpack3A_331 : vector<16xf32>
          %add3A_335 = arith.addf %add3A_320, %mul3A_334 : vector<16xf32>
          %add3A_336 = arith.constant 5 : i32
          %add3A_337 = vector.broadcast %add3A_336 : i32 to vector<16xi32>
          %add3A_338 = arith.addi %scan3A_263, %add3A_337 : vector<16xi32>
          %gather3A_339 = tpu.vector_load_idx %arg10[%add3A_240, %add3A_338] : memref<320x64xi32, #tpu.memory_space<vmem>>[vector<16xi32>, vector<16xi32>], vector<16xi32>,
          %gather3A_340 = tpu.vector_load_idx %arg11[%add3A_240, %add3A_338] : memref<320x64xi32, #tpu.memory_space<vmem>>[vector<16xi32>, vector<16xi32>], vector<16xi32>,
          %bitcast3A_341 = vector.bitcast %gather3A_339 : vector<16xi32> to vector<32xbf16>
          %unpack3A_342 = tpu.unpack_subelements %bitcast3A_341, 0 {pack_format = #tpu.pack_format<interleaved>} : vector<32xbf16> -> vector<16xf32>
          %unpack3A_343 = tpu.unpack_subelements %bitcast3A_341, 1 {pack_format = #tpu.pack_format<interleaved>} : vector<32xbf16> -> vector<16xf32>
          %bitcast3A_344 = vector.bitcast %gather3A_340 : vector<16xi32> to vector<32xbf16>
          %unpack3A_345 = tpu.unpack_subelements %bitcast3A_344, 0 {pack_format = #tpu.pack_format<interleaved>} : vector<32xbf16> -> vector<16xf32>
          %unpack3A_346 = tpu.unpack_subelements %bitcast3A_344, 1 {pack_format = #tpu.pack_format<interleaved>} : vector<32xbf16> -> vector<16xf32>
          %mul3A_347 = arith.mulf %unpack3A_342, %unpack3A_345 : vector<16xf32>
          %add3A_348 = arith.addf %add3A_333, %mul3A_347 : vector<16xf32>
          %mul3A_349 = arith.mulf %unpack3A_343, %unpack3A_346 : vector<16xf32>
          %add3A_350 = arith.addf %add3A_335, %mul3A_349 : vector<16xf32>
          %add3A_351 = arith.constant 6 : i32
          %add3A_352 = vector.broadcast %add3A_351 : i32 to vector<16xi32>
          %add3A_353 = arith.addi %scan3A_263, %add3A_352 : vector<16xi32>
          %gather3A_354 = tpu.vector_load_idx %arg10[%add3A_240, %add3A_353] : memref<320x64xi32, #tpu.memory_space<vmem>>[vector<16xi32>, vector<16xi32>], vector<16xi32>,
          %gather3A_355 = tpu.vector_load_idx %arg11[%add3A_240, %add3A_353] : memref<320x64xi32, #tpu.memory_space<vmem>>[vector<16xi32>, vector<16xi32>], vector<16xi32>,
          %bitcast3A_356 = vector.bitcast %gather3A_354 : vector<16xi32> to vector<32xbf16>
          %unpack3A_357 = tpu.unpack_subelements %bitcast3A_356, 0 {pack_format = #tpu.pack_format<interleaved>} : vector<32xbf16> -> vector<16xf32>
          %unpack3A_358 = tpu.unpack_subelements %bitcast3A_356, 1 {pack_format = #tpu.pack_format<interleaved>} : vector<32xbf16> -> vector<16xf32>
          %bitcast3A_359 = vector.bitcast %gather3A_355 : vector<16xi32> to vector<32xbf16>
          %unpack3A_360 = tpu.unpack_subelements %bitcast3A_359, 0 {pack_format = #tpu.pack_format<interleaved>} : vector<32xbf16> -> vector<16xf32>
          %unpack3A_361 = tpu.unpack_subelements %bitcast3A_359, 1 {pack_format = #tpu.pack_format<interleaved>} : vector<32xbf16> -> vector<16xf32>
          %mul3A_362 = arith.mulf %unpack3A_357, %unpack3A_360 : vector<16xf32>
          %add3A_363 = arith.addf %add3A_348, %mul3A_362 : vector<16xf32>
          %mul3A_364 = arith.mulf %unpack3A_358, %unpack3A_361 : vector<16xf32>
          %add3A_365 = arith.addf %add3A_350, %mul3A_364 : vector<16xf32>
          %add3A_366 = arith.constant 7 : i32
          %add3A_367 = vector.broadcast %add3A_366 : i32 to vector<16xi32>
          %add3A_368 = arith.addi %scan3A_263, %add3A_367 : vector<16xi32>
          %gather3A_369 = tpu.vector_load_idx %arg10[%add3A_240, %add3A_368] : memref<320x64xi32, #tpu.memory_space<vmem>>[vector<16xi32>, vector<16xi32>], vector<16xi32>,
          %gather3A_370 = tpu.vector_load_idx %arg11[%add3A_240, %add3A_368] : memref<320x64xi32, #tpu.memory_space<vmem>>[vector<16xi32>, vector<16xi32>], vector<16xi32>,
          %bitcast3A_371 = vector.bitcast %gather3A_369 : vector<16xi32> to vector<32xbf16>
          %unpack3A_372 = tpu.unpack_subelements %bitcast3A_371, 0 {pack_format = #tpu.pack_format<interleaved>} : vector<32xbf16> -> vector<16xf32>
          %unpack3A_373 = tpu.unpack_subelements %bitcast3A_371, 1 {pack_format = #tpu.pack_format<interleaved>} : vector<32xbf16> -> vector<16xf32>
          %bitcast3A_374 = vector.bitcast %gather3A_370 : vector<16xi32> to vector<32xbf16>
          %unpack3A_375 = tpu.unpack_subelements %bitcast3A_374, 0 {pack_format = #tpu.pack_format<interleaved>} : vector<32xbf16> -> vector<16xf32>
          %unpack3A_376 = tpu.unpack_subelements %bitcast3A_374, 1 {pack_format = #tpu.pack_format<interleaved>} : vector<32xbf16> -> vector<16xf32>
          %mul3A_377 = arith.mulf %unpack3A_372, %unpack3A_375 : vector<16xf32>
          %add3A_378 = arith.addf %add3A_363, %mul3A_377 : vector<16xf32>
          %mul3A_379 = arith.mulf %unpack3A_373, %unpack3A_376 : vector<16xf32>
          %add3A_380 = arith.addf %add3A_365, %mul3A_379 : vector<16xf32>
          %add3A_381 = arith.constant 8 : i32
          %add3A_382 = vector.broadcast %add3A_381 : i32 to vector<16xi32>
          %add3A_383 = arith.addi %scan3A_263, %add3A_382 : vector<16xi32>
          scf.yield %add3A_378, %add3A_380, %add3A_383 : vector<16xf32>, vector<16xf32>, vector<16xi32>
        }
        %scan3A_251 = arith.constant 8 : i32
        %add3A_252 = arith.addf %scan3A_250#0, %scan3A_250#1 : vector<16xf32>
        %mul3A_253 = arith.constant 80 : i32
        %mul3A_254 = arith.muli %add3A_201, %mul3A_253 : i32
        %mul3A_255 = arith.constant 16 : i32
        %mul3A_256 = arith.muli %scan3A_233, %mul3A_255 : i32
        %add3A_257 = arith.addi %mul3A_254, %mul3A_256 : i32
        %swap3A = arith.index_cast %add3A_257 : i32 to index
        %swap3A_258 = tpu.vector_load %arg9[%swap3A] {strides = array<i32>} : memref<10000xf32, #tpu.memory_space<vmem>>, vector<16xf32>,
        tpu.vector_store %arg9[%swap3A], %add3A_252 {strides = array<i32>} : memref<10000xf32, #tpu.memory_space<vmem>>, vector<16xf32>,
        %scan3A_259 = arith.constant 0 : i32
        scf.yield %scan3A_259 : i32
      }
      %scan3A_224 = arith.constant 5 : i32
      %add3A_225 = arith.constant 4 : i32
      %add3A_226 = arith.addi %add3A_201, %add3A_225 : i32
      %lt3A_227 = arith.constant 125 : i32
      %lt3A_228 = arith.cmpi slt, %add3A_226, %lt3A_227 : i32
      %convert_element_type3A_229 = arith.extui %lt3A_228 : i1 to i32
      %cond3A_230 = arith.constant 0 : i32
      %cond3A_231 = arith.cmpi ne, %convert_element_type3A_229, %cond3A_230 : i32
      scf.if %cond3A_231 {
        %add3A_233 = arith.constant 4 : i32
        %add3A_234 = arith.addi %add3A_201, %add3A_233 : i32
        %mul3A_235 = arith.constant 80 : i32
        %mul3A_236 = arith.muli %add3A_234, %mul3A_235 : i32
        %dma_start3A_237 = arith.constant 240 : i32
        %dma_start3A_238 = arith.constant 0 : i32
        %dma_start3A_239 = tpu.memref_slice %arg10[%dma_start3A_237, %dma_start3A_238] : memref<320x64xi32, #tpu.memory_space<vmem>> -> memref<80x64xi32, #tpu.memory_space<vmem>>
        %dma_start3A_240 = tpu.memref_slice %arg7[%mul3A_236] : memref<10000xi32, #tpu.memory_space<vmem>> -> memref<80xi32, #tpu.memory_space<vmem>>
        %dma_start3A_241 = arith.constant 0 : i32
        %dma_start3A_242 = arith.constant 0 : i32
        %dma_start3A_243 = tpu.memref_slice %arg2[%dma_start3A_241, %dma_start3A_242] : memref<100000x64xi32, #tpu.memory_space<hbm>> -> memref<100000x64xi32, #tpu.memory_space<hbm>>
        tpu.enqueue_indirect_dma source(%dma_start3A_243 : memref<100000x64xi32, #tpu.memory_space<hbm>>) target(%dma_start3A_239 : memref<80x64xi32, #tpu.memory_space<vmem>>) offsets(%dma_start3A_240 : memref<80xi32, #tpu.memory_space<vmem>>) semaphore(%arg15 : memref<!tpu.dma_semaphore, #tpu.memory_space<semaphore_mem>>)
        %dma_start3A_244 = arith.constant 240 : i32
        %dma_start3A_245 = arith.constant 0 : i32
        %dma_start3A_246 = tpu.memref_slice %arg11[%dma_start3A_244, %dma_start3A_245] : memref<320x64xi32, #tpu.memory_space<vmem>> -> memref<80x64xi32, #tpu.memory_space<vmem>>
        %dma_start3A_247 = tpu.memref_slice %arg8[%mul3A_236] : memref<10000xi32, #tpu.memory_space<vmem>> -> memref<80xi32, #tpu.memory_space<vmem>>
        %dma_start3A_248 = arith.constant 0 : i32
        %dma_start3A_249 = arith.constant 0 : i32
        %dma_start3A_250 = tpu.memref_slice %arg3[%dma_start3A_248, %dma_start3A_249] : memref<100000x64xi32, #tpu.memory_space<hbm>> -> memref<100000x64xi32, #tpu.memory_space<hbm>>
        tpu.enqueue_indirect_dma source(%dma_start3A_250 : memref<100000x64xi32, #tpu.memory_space<hbm>>) target(%dma_start3A_246 : memref<80x64xi32, #tpu.memory_space<vmem>>) offsets(%dma_start3A_247 : memref<80xi32, #tpu.memory_space<vmem>>) semaphore(%arg19 : memref<!tpu.dma_semaphore, #tpu.memory_space<semaphore_mem>>)
      } else {
      }
      %scan3A_232 = arith.constant 0 : i32
      scf.yield %scan3A_232 : i32
    }
    %scan3A_74 = arith.constant 31 : i32
    %dma_wait3A = arith.constant 0 : i32
    %dma_wait3A_75 = arith.constant 0 : i32
    %dma_wait3A_76 = tpu.memref_slice %arg10[%dma_wait3A, %dma_wait3A_75] : memref<320x64xi32, #tpu.memory_space<vmem>> -> memref<80x64xi32, #tpu.memory_space<vmem>>
    %dma_wait3A_77 = arith.constant 0 : i32
    %dma_wait3A_78 = tpu.memref_slice %arg7[%dma_wait3A_77] : memref<10000xi32, #tpu.memory_space<vmem>> -> memref<80xi32, #tpu.memory_space<vmem>>
    %dma_wait3A_79 = arith.constant 0 : i32
    %dma_wait3A_80 = arith.constant 0 : i32
    %dma_wait3A_81 = tpu.memref_slice %arg2[%dma_wait3A_79, %dma_wait3A_80] : memref<100000x64xi32, #tpu.memory_space<hbm>> -> memref<100000x64xi32, #tpu.memory_space<hbm>>
    tpu.wait_indirect_dma semaphore(%arg12 : memref<!tpu.dma_semaphore, #tpu.memory_space<semaphore_mem>>) src(%dma_wait3A_81 : memref<100000x64xi32, #tpu.memory_space<hbm>>) dst(%dma_wait3A_76 : memref<80x64xi32, #tpu.memory_space<vmem>>)
    %dma_wait3A_82 = arith.constant 0 : i32
    %dma_wait3A_83 = arith.constant 0 : i32
    %dma_wait3A_84 = tpu.memref_slice %arg11[%dma_wait3A_82, %dma_wait3A_83] : memref<320x64xi32, #tpu.memory_space<vmem>> -> memref<80x64xi32, #tpu.memory_space<vmem>>
    %dma_wait3A_85 = arith.constant 0 : i32
    %dma_wait3A_86 = tpu.memref_slice %arg7[%dma_wait3A_85] : memref<10000xi32, #tpu.memory_space<vmem>> -> memref<80xi32, #tpu.memory_space<vmem>>
    %dma_wait3A_87 = arith.constant 0 : i32
    %dma_wait3A_88 = arith.constant 0 : i32
    %dma_wait3A_89 = tpu.memref_slice %arg3[%dma_wait3A_87, %dma_wait3A_88] : memref<100000x64xi32, #tpu.memory_space<hbm>> -> memref<100000x64xi32, #tpu.memory_space<hbm>>
    tpu.wait_indirect_dma semaphore(%arg16 : memref<!tpu.dma_semaphore, #tpu.memory_space<semaphore_mem>>) src(%dma_wait3A_89 : memref<100000x64xi32, #tpu.memory_space<hbm>>) dst(%dma_wait3A_84 : memref<80x64xi32, #tpu.memory_space<vmem>>)
    %scan3A_90 = arith.constant 0 : i32
    %scan3A_91 = arith.constant 0 : i32
    %scan3A_92 = arith.constant 5 : i32
    %scan3A_93 = arith.addi %scan3A_91, %scan3A_92 : i32
    %scan3A_94 = arith.constant 1 : i32
    %scan3A_95 = scf.for %scan3A_97 = %scan3A_91 to %scan3A_93 step %scan3A_94 iter_args(%scan3A_98 = %scan3A_90) -> (i32)  : i32 {
      %mul3A_99 = arith.constant 16 : i32
      %mul3A_100 = arith.muli %scan3A_97, %mul3A_99 : i32
      %add3A_101 = arith.constant 0 : i32
      %add3A_102 = arith.addi %add3A_101, %mul3A_100 : i32
      %add3A_103 = vector.broadcast %add3A_102 : i32 to vector<16xi32>
      %add3A_104 = arith.addi %add3A_103, %iota3A : vector<16xi32>
      %broadcast_in_dim3A = arith.constant 0.000000e+00 : f32
      %broadcast_in_dim3A_105 = vector.broadcast %broadcast_in_dim3A : f32 to vector<16xf32>
      %broadcast_in_dim3A_106 = arith.constant 0.000000e+00 : f32
      %broadcast_in_dim3A_107 = vector.broadcast %broadcast_in_dim3A_106 : f32 to vector<16xf32>
      %broadcast_in_dim3A_108 = arith.constant 0 : i32
      %broadcast_in_dim3A_109 = vector.broadcast %broadcast_in_dim3A_108 : i32 to vector<16xi32>
      %scan3A_110 = arith.constant 0 : i32
      %scan3A_111 = arith.constant 8 : i32
      %scan3A_112 = arith.addi %scan3A_110, %scan3A_111 : i32
      %scan3A_113 = arith.constant 1 : i32
      %scan3A_114:3 = scf.for %scan3A_123 = %scan3A_110 to %scan3A_112 step %scan3A_113 iter_args(%scan3A_124 = %broadcast_in_dim3A_105, %scan3A_125 = %broadcast_in_dim3A_107, %scan3A_126 = %broadcast_in_dim3A_109) -> (vector<16xf32>, vector<16xf32>, vector<16xi32>)  : i32 {
        %add3A_127 = arith.constant 0 : i32
        %add3A_128 = vector.broadcast %add3A_127 : i32 to vector<16xi32>
        %add3A_129 = arith.addi %scan3A_126, %add3A_128 : vector<16xi32>
        %gather3A = tpu.vector_load_idx %arg10[%add3A_104, %add3A_129] : memref<320x64xi32, #tpu.memory_space<vmem>>[vector<16xi32>, vector<16xi32>], vector<16xi32>,
        %gather3A_130 = tpu.vector_load_idx %arg11[%add3A_104, %add3A_129] : memref<320x64xi32, #tpu.memory_space<vmem>>[vector<16xi32>, vector<16xi32>], vector<16xi32>,
        %bitcast3A = vector.bitcast %gather3A : vector<16xi32> to vector<32xbf16>
        %unpack3A = tpu.unpack_subelements %bitcast3A, 0 {pack_format = #tpu.pack_format<interleaved>} : vector<32xbf16> -> vector<16xf32>
        %unpack3A_131 = tpu.unpack_subelements %bitcast3A, 1 {pack_format = #tpu.pack_format<interleaved>} : vector<32xbf16> -> vector<16xf32>
        %bitcast3A_132 = vector.bitcast %gather3A_130 : vector<16xi32> to vector<32xbf16>
        %unpack3A_133 = tpu.unpack_subelements %bitcast3A_132, 0 {pack_format = #tpu.pack_format<interleaved>} : vector<32xbf16> -> vector<16xf32>
        %unpack3A_134 = tpu.unpack_subelements %bitcast3A_132, 1 {pack_format = #tpu.pack_format<interleaved>} : vector<32xbf16> -> vector<16xf32>
        %mul3A_135 = arith.mulf %unpack3A, %unpack3A_133 : vector<16xf32>
        %add3A_136 = arith.addf %scan3A_124, %mul3A_135 : vector<16xf32>
        %mul3A_137 = arith.mulf %unpack3A_131, %unpack3A_134 : vector<16xf32>
        %add3A_138 = arith.addf %scan3A_125, %mul3A_137 : vector<16xf32>
        %add3A_139 = arith.constant 1 : i32
        %add3A_140 = vector.broadcast %add3A_139 : i32 to vector<16xi32>
        %add3A_141 = arith.addi %scan3A_126, %add3A_140 : vector<16xi32>
        %gather3A_142 = tpu.vector_load_idx %arg10[%add3A_104, %add3A_141] : memref<320x64xi32, #tpu.memory_space<vmem>>[vector<16xi32>, vector<16xi32>], vector<16xi32>,
        %gather3A_143 = tpu.vector_load_idx %arg11[%add3A_104, %add3A_141] : memref<320x64xi32, #tpu.memory_space<vmem>>[vector<16xi32>, vector<16xi32>], vector<16xi32>,
        %bitcast3A_144 = vector.bitcast %gather3A_142 : vector<16xi32> to vector<32xbf16>
        %unpack3A_145 = tpu.unpack_subelements %bitcast3A_144, 0 {pack_format = #tpu.pack_format<interleaved>} : vector<32xbf16> -> vector<16xf32>
        %unpack3A_146 = tpu.unpack_subelements %bitcast3A_144, 1 {pack_format = #tpu.pack_format<interleaved>} : vector<32xbf16> -> vector<16xf32>
        %bitcast3A_147 = vector.bitcast %gather3A_143 : vector<16xi32> to vector<32xbf16>
        %unpack3A_148 = tpu.unpack_subelements %bitcast3A_147, 0 {pack_format = #tpu.pack_format<interleaved>} : vector<32xbf16> -> vector<16xf32>
        %unpack3A_149 = tpu.unpack_subelements %bitcast3A_147, 1 {pack_format = #tpu.pack_format<interleaved>} : vector<32xbf16> -> vector<16xf32>
        %mul3A_150 = arith.mulf %unpack3A_145, %unpack3A_148 : vector<16xf32>
        %add3A_151 = arith.addf %add3A_136, %mul3A_150 : vector<16xf32>
        %mul3A_152 = arith.mulf %unpack3A_146, %unpack3A_149 : vector<16xf32>
        %add3A_153 = arith.addf %add3A_138, %mul3A_152 : vector<16xf32>
        %add3A_154 = arith.constant 2 : i32
        %add3A_155 = vector.broadcast %add3A_154 : i32 to vector<16xi32>
        %add3A_156 = arith.addi %scan3A_126, %add3A_155 : vector<16xi32>
        %gather3A_157 = tpu.vector_load_idx %arg10[%add3A_104, %add3A_156] : memref<320x64xi32, #tpu.memory_space<vmem>>[vector<16xi32>, vector<16xi32>], vector<16xi32>,
        %gather3A_158 = tpu.vector_load_idx %arg11[%add3A_104, %add3A_156] : memref<320x64xi32, #tpu.memory_space<vmem>>[vector<16xi32>, vector<16xi32>], vector<16xi32>,
        %bitcast3A_159 = vector.bitcast %gather3A_157 : vector<16xi32> to vector<32xbf16>
        %unpack3A_160 = tpu.unpack_subelements %bitcast3A_159, 0 {pack_format = #tpu.pack_format<interleaved>} : vector<32xbf16> -> vector<16xf32>
        %unpack3A_161 = tpu.unpack_subelements %bitcast3A_159, 1 {pack_format = #tpu.pack_format<interleaved>} : vector<32xbf16> -> vector<16xf32>
        %bitcast3A_162 = vector.bitcast %gather3A_158 : vector<16xi32> to vector<32xbf16>
        %unpack3A_163 = tpu.unpack_subelements %bitcast3A_162, 0 {pack_format = #tpu.pack_format<interleaved>} : vector<32xbf16> -> vector<16xf32>
        %unpack3A_164 = tpu.unpack_subelements %bitcast3A_162, 1 {pack_format = #tpu.pack_format<interleaved>} : vector<32xbf16> -> vector<16xf32>
        %mul3A_165 = arith.mulf %unpack3A_160, %unpack3A_163 : vector<16xf32>
        %add3A_166 = arith.addf %add3A_151, %mul3A_165 : vector<16xf32>
        %mul3A_167 = arith.mulf %unpack3A_161, %unpack3A_164 : vector<16xf32>
        %add3A_168 = arith.addf %add3A_153, %mul3A_167 : vector<16xf32>
        %add3A_169 = arith.constant 3 : i32
        %add3A_170 = vector.broadcast %add3A_169 : i32 to vector<16xi32>
        %add3A_171 = arith.addi %scan3A_126, %add3A_170 : vector<16xi32>
        %gather3A_172 = tpu.vector_load_idx %arg10[%add3A_104, %add3A_171] : memref<320x64xi32, #tpu.memory_space<vmem>>[vector<16xi32>, vector<16xi32>], vector<16xi32>,
        %gather3A_173 = tpu.vector_load_idx %arg11[%add3A_104, %add3A_171] : memref<320x64xi32, #tpu.memory_space<vmem>>[vector<16xi32>, vector<16xi32>], vector<16xi32>,
        %bitcast3A_174 = vector.bitcast %gather3A_172 : vector<16xi32> to vector<32xbf16>
        %unpack3A_175 = tpu.unpack_subelements %bitcast3A_174, 0 {pack_format = #tpu.pack_format<interleaved>} : vector<32xbf16> -> vector<16xf32>
        %unpack3A_176 = tpu.unpack_subelements %bitcast3A_174, 1 {pack_format = #tpu.pack_format<interleaved>} : vector<32xbf16> -> vector<16xf32>
        %bitcast3A_177 = vector.bitcast %gather3A_173 : vector<16xi32> to vector<32xbf16>
        %unpack3A_178 = tpu.unpack_subelements %bitcast3A_177, 0 {pack_format = #tpu.pack_format<interleaved>} : vector<32xbf16> -> vector<16xf32>
        %unpack3A_179 = tpu.unpack_subelements %bitcast3A_177, 1 {pack_format = #tpu.pack_format<interleaved>} : vector<32xbf16> -> vector<16xf32>
        %mul3A_180 = arith.mulf %unpack3A_175, %unpack3A_178 : vector<16xf32>
        %add3A_181 = arith.addf %add3A_166, %mul3A_180 : vector<16xf32>
        %mul3A_182 = arith.mulf %unpack3A_176, %unpack3A_179 : vector<16xf32>
        %add3A_183 = arith.addf %add3A_168, %mul3A_182 : vector<16xf32>
        %add3A_184 = arith.constant 4 : i32
        %add3A_185 = vector.broadcast %add3A_184 : i32 to vector<16xi32>
        %add3A_186 = arith.addi %scan3A_126, %add3A_185 : vector<16xi32>
        %gather3A_187 = tpu.vector_load_idx %arg10[%add3A_104, %add3A_186] : memref<320x64xi32, #tpu.memory_space<vmem>>[vector<16xi32>, vector<16xi32>], vector<16xi32>,
        %gather3A_188 = tpu.vector_load_idx %arg11[%add3A_104, %add3A_186] : memref<320x64xi32, #tpu.memory_space<vmem>>[vector<16xi32>, vector<16xi32>], vector<16xi32>,
        %bitcast3A_189 = vector.bitcast %gather3A_187 : vector<16xi32> to vector<32xbf16>
        %unpack3A_190 = tpu.unpack_subelements %bitcast3A_189, 0 {pack_format = #tpu.pack_format<interleaved>} : vector<32xbf16> -> vector<16xf32>
        %unpack3A_191 = tpu.unpack_subelements %bitcast3A_189, 1 {pack_format = #tpu.pack_format<interleaved>} : vector<32xbf16> -> vector<16xf32>
        %bitcast3A_192 = vector.bitcast %gather3A_188 : vector<16xi32> to vector<32xbf16>
        %unpack3A_193 = tpu.unpack_subelements %bitcast3A_192, 0 {pack_format = #tpu.pack_format<interleaved>} : vector<32xbf16> -> vector<16xf32>
        %unpack3A_194 = tpu.unpack_subelements %bitcast3A_192, 1 {pack_format = #tpu.pack_format<interleaved>} : vector<32xbf16> -> vector<16xf32>
        %mul3A_195 = arith.mulf %unpack3A_190, %unpack3A_193 : vector<16xf32>
        %add3A_196 = arith.addf %add3A_181, %mul3A_195 : vector<16xf32>
        %mul3A_197 = arith.mulf %unpack3A_191, %unpack3A_194 : vector<16xf32>
        %add3A_198 = arith.addf %add3A_183, %mul3A_197 : vector<16xf32>
        %add3A_199 = arith.constant 5 : i32
        %add3A_200 = vector.broadcast %add3A_199 : i32 to vector<16xi32>
        %add3A_201 = arith.addi %scan3A_126, %add3A_200 : vector<16xi32>
        %gather3A_202 = tpu.vector_load_idx %arg10[%add3A_104, %add3A_201] : memref<320x64xi32, #tpu.memory_space<vmem>>[vector<16xi32>, vector<16xi32>], vector<16xi32>,
        %gather3A_203 = tpu.vector_load_idx %arg11[%add3A_104, %add3A_201] : memref<320x64xi32, #tpu.memory_space<vmem>>[vector<16xi32>, vector<16xi32>], vector<16xi32>,
        %bitcast3A_204 = vector.bitcast %gather3A_202 : vector<16xi32> to vector<32xbf16>
        %unpack3A_205 = tpu.unpack_subelements %bitcast3A_204, 0 {pack_format = #tpu.pack_format<interleaved>} : vector<32xbf16> -> vector<16xf32>
        %unpack3A_206 = tpu.unpack_subelements %bitcast3A_204, 1 {pack_format = #tpu.pack_format<interleaved>} : vector<32xbf16> -> vector<16xf32>
        %bitcast3A_207 = vector.bitcast %gather3A_203 : vector<16xi32> to vector<32xbf16>
        %unpack3A_208 = tpu.unpack_subelements %bitcast3A_207, 0 {pack_format = #tpu.pack_format<interleaved>} : vector<32xbf16> -> vector<16xf32>
        %unpack3A_209 = tpu.unpack_subelements %bitcast3A_207, 1 {pack_format = #tpu.pack_format<interleaved>} : vector<32xbf16> -> vector<16xf32>
        %mul3A_210 = arith.mulf %unpack3A_205, %unpack3A_208 : vector<16xf32>
        %add3A_211 = arith.addf %add3A_196, %mul3A_210 : vector<16xf32>
        %mul3A_212 = arith.mulf %unpack3A_206, %unpack3A_209 : vector<16xf32>
        %add3A_213 = arith.addf %add3A_198, %mul3A_212 : vector<16xf32>
        %add3A_214 = arith.constant 6 : i32
        %add3A_215 = vector.broadcast %add3A_214 : i32 to vector<16xi32>
        %add3A_216 = arith.addi %scan3A_126, %add3A_215 : vector<16xi32>
        %gather3A_217 = tpu.vector_load_idx %arg10[%add3A_104, %add3A_216] : memref<320x64xi32, #tpu.memory_space<vmem>>[vector<16xi32>, vector<16xi32>], vector<16xi32>,
        %gather3A_218 = tpu.vector_load_idx %arg11[%add3A_104, %add3A_216] : memref<320x64xi32, #tpu.memory_space<vmem>>[vector<16xi32>, vector<16xi32>], vector<16xi32>,
        %bitcast3A_219 = vector.bitcast %gather3A_217 : vector<16xi32> to vector<32xbf16>
        %unpack3A_220 = tpu.unpack_subelements %bitcast3A_219, 0 {pack_format = #tpu.pack_format<interleaved>} : vector<32xbf16> -> vector<16xf32>
        %unpack3A_221 = tpu.unpack_subelements %bitcast3A_219, 1 {pack_format = #tpu.pack_format<interleaved>} : vector<32xbf16> -> vector<16xf32>
        %bitcast3A_222 = vector.bitcast %gather3A_218 : vector<16xi32> to vector<32xbf16>
        %unpack3A_223 = tpu.unpack_subelements %bitcast3A_222, 0 {pack_format = #tpu.pack_format<interleaved>} : vector<32xbf16> -> vector<16xf32>
        %unpack3A_224 = tpu.unpack_subelements %bitcast3A_222, 1 {pack_format = #tpu.pack_format<interleaved>} : vector<32xbf16> -> vector<16xf32>
        %mul3A_225 = arith.mulf %unpack3A_220, %unpack3A_223 : vector<16xf32>
        %add3A_226 = arith.addf %add3A_211, %mul3A_225 : vector<16xf32>
        %mul3A_227 = arith.mulf %unpack3A_221, %unpack3A_224 : vector<16xf32>
        %add3A_228 = arith.addf %add3A_213, %mul3A_227 : vector<16xf32>
        %add3A_229 = arith.constant 7 : i32
        %add3A_230 = vector.broadcast %add3A_229 : i32 to vector<16xi32>
        %add3A_231 = arith.addi %scan3A_126, %add3A_230 : vector<16xi32>
        %gather3A_232 = tpu.vector_load_idx %arg10[%add3A_104, %add3A_231] : memref<320x64xi32, #tpu.memory_space<vmem>>[vector<16xi32>, vector<16xi32>], vector<16xi32>,
        %gather3A_233 = tpu.vector_load_idx %arg11[%add3A_104, %add3A_231] : memref<320x64xi32, #tpu.memory_space<vmem>>[vector<16xi32>, vector<16xi32>], vector<16xi32>,
        %bitcast3A_234 = vector.bitcast %gather3A_232 : vector<16xi32> to vector<32xbf16>
        %unpack3A_235 = tpu.unpack_subelements %bitcast3A_234, 0 {pack_format = #tpu.pack_format<interleaved>} : vector<32xbf16> -> vector<16xf32>
        %unpack3A_236 = tpu.unpack_subelements %bitcast3A_234, 1 {pack_format = #tpu.pack_format<interleaved>} : vector<32xbf16> -> vector<16xf32>
        %bitcast3A_237 = vector.bitcast %gather3A_233 : vector<16xi32> to vector<32xbf16>
        %unpack3A_238 = tpu.unpack_subelements %bitcast3A_237, 0 {pack_format = #tpu.pack_format<interleaved>} : vector<32xbf16> -> vector<16xf32>
        %unpack3A_239 = tpu.unpack_subelements %bitcast3A_237, 1 {pack_format = #tpu.pack_format<interleaved>} : vector<32xbf16> -> vector<16xf32>
        %mul3A_240 = arith.mulf %unpack3A_235, %unpack3A_238 : vector<16xf32>
        %add3A_241 = arith.addf %add3A_226, %mul3A_240 : vector<16xf32>
        %mul3A_242 = arith.mulf %unpack3A_236, %unpack3A_239 : vector<16xf32>
        %add3A_243 = arith.addf %add3A_228, %mul3A_242 : vector<16xf32>
        %add3A_244 = arith.constant 8 : i32
        %add3A_245 = vector.broadcast %add3A_244 : i32 to vector<16xi32>
        %add3A_246 = arith.addi %scan3A_126, %add3A_245 : vector<16xi32>
        scf.yield %add3A_241, %add3A_243, %add3A_246 : vector<16xf32>, vector<16xf32>, vector<16xi32>
      }
      %scan3A_115 = arith.constant 8 : i32
      %add3A_116 = arith.addf %scan3A_114#0, %scan3A_114#1 : vector<16xf32>
      %mul3A_117 = arith.constant 16 : i32
      %mul3A_118 = arith.muli %scan3A_97, %mul3A_117 : i32
      %add3A_119 = arith.constant 9920 : i32
      %add3A_120 = arith.addi %add3A_119, %mul3A_118 : i32
      %swap3A = arith.index_cast %add3A_120 : i32 to index
      %swap3A_121 = tpu.vector_load %arg9[%swap3A] {strides = array<i32>} : memref<10000xf32, #tpu.memory_space<vmem>>, vector<16xf32>,
      tpu.vector_store %arg9[%swap3A], %add3A_116 {strides = array<i32>} : memref<10000xf32, #tpu.memory_space<vmem>>, vector<16xf32>,
      %scan3A_122 = arith.constant 0 : i32
      scf.yield %scan3A_122 : i32
    }
    %scan3A_96 = arith.constant 5 : i32
    "tpu.region"() ({
      %run_scoped3A = tpu.sem_alloc : memref<!tpu.dma_semaphore, #tpu.memory_space<semaphore_mem>>
      %dma_start3A_97 = tpu.memref_slice %arg6[%mul3A_2] : memref<320000xf32, #tpu.memory_space<hbm>> -> memref<10000xf32, #tpu.memory_space<hbm>>
      %dma_start3A_98 = tpu.memref_slice %arg6[%mul3A_2] : memref<320000xf32, #tpu.memory_space<hbm>> -> memref<10000xf32, #tpu.memory_space<hbm>>
      tpu.enqueue_dma source(%arg9 : memref<10000xf32, #tpu.memory_space<vmem>>) target(%dma_start3A_98 : memref<10000xf32, #tpu.memory_space<hbm>>) target_semaphore(%run_scoped3A : memref<!tpu.dma_semaphore, #tpu.memory_space<semaphore_mem>>)
      %dma_wait3A_99 = tpu.memref_slice %arg6[%mul3A_2] : memref<320000xf32, #tpu.memory_space<hbm>> -> memref<10000xf32, #tpu.memory_space<hbm>>
      %dma_wait3A_100 = tpu.memref_slice %arg6[%mul3A_2] : memref<320000xf32, #tpu.memory_space<hbm>> -> memref<10000xf32, #tpu.memory_space<hbm>>
      tpu.wait_dma2 semaphore(%run_scoped3A : memref<!tpu.dma_semaphore, #tpu.memory_space<semaphore_mem>>) src(%arg9 : memref<10000xf32, #tpu.memory_space<vmem>>) dst(%dma_wait3A_100 : memref<10000xf32, #tpu.memory_space<hbm>>)
      tpu.yield
    }) : () -> ()
    return
  }
}

</mosaic_0001>

<sc_bundles>
// kernel: _scores.3.cloned.1.call-start
scs
__scs_entry_jumppad:
0x0: {  	(pc) =	sbr.rel $0x88, $3  }
0x1: {  	(tag) =	ssettag $0x0;
	lr =	simm.s32 $0x1  }
0x2: {  	[smem:$0x3F9D] =	sst lr;
	_ =	strace $0xD0000000  }
0x3: {  	_ = 	snop  }
0x4: {  	_ = 	snop  }
0x5: {  	_ = 	snop  }
0x6: {  	_ = 	snop  }
0x7: {  	_ = 	snop  }
__scs_overlays_trampoline_lowered:
0x8: {  	[smem:$0x3FAC] =	sst s0  }
0x9: {  	[smem:$0x3FAD] =	sst s1  }
0xa: {  	[smem:$0x3FAE] =	sst s2  }
0xb: {  	[smem:$0x3FAF] =	sst s3  }
0xc: {  	[smem:$0x3FB0] =	sst s4  }
0xd: {  	[smem:$0x3FB1] =	sst s5  }
0xe: {  	[smem:$0x3FB2] =	sst s6  }
0xf: {  	[smem:$0x3FB3] =	sst s7  }
0x10: {  	[smem:$0x3FB4] =	sst s8  }
0x11: {  	[smem:$0x3FB5] =	sst s9;
	s0 =	simm.s32 @!p0 $0x0  }
0x12: {  	s1 =	sld [smem:$0x3F9B];
	s0 =	simm.s32 @p0 $0x1  }
0x13: {  	[smem:$0x3FB6] =	sst s0;
	s0 =	simm.s32 @!p1 $0x0  }
0x14: {  	s2 =	sld [smem:$0x3F9A];
	s0 =	simm.s32 @p1 $0x1  }
0x15: {  	[smem:$0x3FB7] =	sst s0;
	s0 =	simm.s32 @!p2 $0x0  }
0x16: {  	s3 =	sld [smem:$0x3FDB];
	s0 =	simm.s32 @p2 $0x1  }
0x17: {  	s4 =	simm.s32 $0x1BF5;
	[smem:$0x3FB9] =	sst s0  }
0x18: {  	s0 =	sld [smem:$0x3F9C];
	_ =	swait.ge [sflag:s4], $0x0  }
0x19: {  	s7 =	sld [smem:$0x3F9D]  }
0x1a: {  	s8 =	sadd.s32 $0xFFFFE003, lr  }
0x1b: {  	s9 =	sadd.s32 $0xFFFFFEF7, lr;
	s5 =	simm.s32 $0xFFFFFFFF;
	p2 =	slt.u32 s8, $0xFFFFF086  }
0x1c: {  	p1 =	slt.u32 s9, $0xF7A;
	s5 =	simm.s32 @!p2 $0x0  }
0x1d: {  	s5 =	simm.s32 @p1 $0x1;
	p0 =	seq.s32 s7, s2  }
0x1e: {  	s7 =	smul.u32 @!p0 $0xF7A, s2;
	p2 =	seq.s32 @!p0 s5, $0x0  }
0x1f: {  	s9 =	smul.u32 $0xF7A, s1;
	s8 =	simm.s32 @!p0 $0x1BF5;
	p2 =	por !p2, p0  }
0x20: {  	[sflag:s8] =	ssyncset.s32 @!p0 $0xFFFFF086;
	s6 =	sadd.s32 @!p0 s3, s7;
	s7 =	simm.s32 @!p0 $0x108  }
0x21: {  	s3 =	sadd.s32 s3, s9;
	s6 =	sadd.s32 @!p0 $0x88, s6;
	s7 =	simm.s32 @p2 $0x1082  }
0x22: {  	[simem:s7], [sflag:s8] =	dma.local @!p0 [hbm:s6], $0xF7A  }
0x23: {  	s9 =	sor.u32 $0xD0000000, s2;
	s6 =	simm.s32 $0x108;
	_ =	swait.ge @!p0 [sflag:s8], $0x0  }
0x24: {  	s3 =	sadd.s32 $0x88, s3;
	s6 =	simm.s32 @!p1 $0x1082;
	[sflag:s4] =	ssyncset.s32 $0xFFFFF086  }
0x25: {  	[simem:s6], [sflag:s4] =	dma.local [hbm:s3], $0xF7A  }
0x26: {  	[smem:$0x3F9D] =	sst s1;
	(tag) =	ssettag s2;
	_ =	strace s9  }
0x27: {  	s1 =	sld [smem:$0x3FAD]  }
0x28: {  	s2 =	sld [smem:$0x3FAE]  }
0x29: {  	s4 =	sld [smem:$0x3FB0]  }
0x2a: {  	p0 =	seq.s32 s5, $0x0;
	s5 =	sld [smem:$0x3FB1]  }
0x2b: {  	s6 =	sld [smem:$0x3FB2]  }
0x2c: {  	s7 =	sld [smem:$0x3FB3]  }
0x2d: {  	s3 =	simm.s32 $0x108;
	s8 =	sld [smem:$0x3FB4]  }
0x2e: {  	s3 =	simm.s32 @!p0 $0x1082;
	s9 =	sld [smem:$0x3FB5]  }
0x2f: {  	lr =	sadd.s32 s0, s3;
	s0 =	sld [smem:$0x3FAC]  }
0x30: {  	s3 =	sld [smem:$0x3FAF]  }
0x31: {  	[smem:$0x3FB8] =	sst s10  }
0x32: {  	s10 =	sld [smem:$0x3FB6];
	_ =	sdelay $0x3  }
0x33: {  	p0 =	seq.s32 s10, $0x1;
	s10 =	sld [smem:$0x3FB8];
	_ =	sdelay $0x3  }
0x34: {  	[smem:$0x3FB8] =	sst s10  }
0x35: {  	s10 =	sld [smem:$0x3FB7];
	_ =	sdelay $0x3  }
0x36: {  	p1 =	seq.s32 s10, $0x1;
	s10 =	sld [smem:$0x3FB8];
	_ =	sdelay $0x3  }
0x37: {  	[smem:$0x3FB8] =	sst s10  }
0x38: {  	s10 =	sld [smem:$0x3FB9]  }
0x39: {  	_ = 	snop;
	(pc) =	sbr.ind lr, $3  }
0x3a: {  	_ = 	snop  }
0x3b: {  	_ = 	snop  }
0x3c: {  	p2 =	seq.s32 s10, $0x1;
	s10 =	sld [smem:$0x3FB8]  }
0x3d: {  	_ =	shalt  }
0x3e: {  	_ =	shalt  }
0x3f: {  	_ =	shalt  }
0x40: {  	_ =	shalt  }
0x41: {  	_ =	shalt  }
0x42: {  	_ =	shalt  }
0x43: {  	_ =	shalt  }
0x44: {  	_ =	shalt  }
0x45: {  	_ =	shalt  }
0x46: {  	_ =	shalt  }
0x47: {  	_ =	shalt  }
0x48: {  	_ =	shalt  }
0x49: {  	_ =	shalt  }
0x4a: {  	_ =	shalt  }
0x4b: {  	_ =	shalt  }
0x4c: {  	_ =	shalt  }
0x4d: {  	_ =	shalt  }
0x4e: {  	_ =	shalt  }
0x4f: {  	_ =	shalt  }
0x50: {  	_ =	shalt  }
0x51: {  	_ =	shalt  }
0x52: {  	_ =	shalt  }
0x53: {  	_ =	shalt  }
0x54: {  	_ =	shalt  }
0x55: {  	_ =	shalt  }
0x56: {  	_ =	shalt  }
0x57: {  	_ =	shalt  }
0x58: {  	_ =	shalt  }
0x59: {  	_ =	shalt  }
0x5a: {  	_ =	shalt  }
0x5b: {  	_ =	shalt  }
0x5c: {  	_ =	shalt  }
0x5d: {  	_ =	shalt  }
0x5e: {  	_ =	shalt  }
0x5f: {  	_ =	shalt  }
0x60: {  	_ =	shalt  }
0x61: {  	_ =	shalt  }
0x62: {  	_ =	shalt  }
0x63: {  	_ =	shalt  }
0x64: {  	_ =	shalt  }
0x65: {  	_ =	shalt  }
0x66: {  	_ =	shalt  }
0x67: {  	_ =	shalt  }
0x68: {  	_ =	shalt  }
0x69: {  	_ =	shalt  }
0x6a: {  	_ =	shalt  }
0x6b: {  	_ =	shalt  }
0x6c: {  	_ =	shalt  }
0x6d: {  	_ =	shalt  }
0x6e: {  	_ =	shalt  }
0x6f: {  	_ =	shalt  }
0x70: {  	_ =	shalt  }
0x71: {  	_ =	shalt  }
0x72: {  	_ =	shalt  }
0x73: {  	_ =	shalt  }
0x74: {  	_ =	shalt  }
0x75: {  	_ =	shalt  }
0x76: {  	_ =	shalt  }
0x77: {  	_ =	shalt  }
0x78: {  	_ =	shalt  }
0x79: {  	_ =	shalt  }
0x7a: {  	_ =	shalt  }
0x7b: {  	_ =	shalt  }
0x7c: {  	_ =	shalt  }
0x7d: {  	_ =	shalt  }
0x7e: {  	_ =	shalt  }
0x7f: {  	_ =	shalt  }
0x80: {  	_ =	shalt  }
0x81: {  	_ =	shalt  }
0x82: {  	_ =	shalt  }
0x83: {  	_ =	shalt  }
0x84: {  	_ =	shalt  }
0x85: {  	_ =	shalt  }
0x86: {  	_ =	shalt  }
0x87: {  	_ =	shalt  }
.Lfunc_end0:
.L_simem_size_0:
called_computation_lowered:
.L_overlay_start_0:
0x88: {  	s2 =	sld [smem:$0x3FD9]  }
0x89: {  	s3 =	sld [smem:$0x3FFE];
	_ =	sdelay $0x1  }
0x8a: {  	s1 =	srdreg.scid  }
0x8b: {  	s0 =	sand.u32 $0x1, s1  }
0x8c: {  	s17 =	sshll.u32 s0, $0xA;
	s2 =	sadd.s32 s3, s2  }
0x8d: {  	s2 =	sadd.s32 s2, s17  }
0x8e: {  	[smem:$0x3FC4] =	sst s2  }
0x8f: {  	_ = 	snop  }
0x90: {  	s2 =	sld [smem:$0x3FC7]  }
0x91: {  	s18 =	sld [smem:$0x3FC6]  }
0x92: {  	s4 =	sld [smem:$0x3FD0];
	(tm) =	ssettm $0x1  }
0x93: {  	s5 =	sld [smem:$0x3FFB];
	_ =	sdelay $0x3  }
0x94: {  	_ =	strace s5  }
0x95: {  	s5 =	sld [smem:$0x3FFC];
	_ =	sdelay $0x3  }
0x96: {  	_ =	strace s5  }
0x97: {  	s5 =	sld [smem:$0x3FFD];
	_ =	sdelay $0x3  }
0x98: {  	_ =	strace s5  }
0x99: {  	_ =	strace $0x8FFFFFFF  }
0x9a: {  	s19 =	sld [smem:$0x3FDB];
	_ =	sdelay $0x1  }
0x9b: {  	s6 =	simm.s32 $_scs_section_size  }
0x9c: {  	s7 =	simm.s32 $_size__tile_overlayer_lowered;
	s8 =	simm.s32 $_tile_overlayer_lowered  }
0x9d: {  	s22 =	simm.s32 $0x1BFF;
	s21 =	sshll.u32 s8, $0x1;
	s5 =	sadd.s32 s6, s19  }
0x9e: {  	s9 =	simm.s32 $0x0;
	s20 =	sshll.u32 s7, $0x1;
	s7 =	sadd.s32 s21, s5  }
0x9f: {  	[timem:s9], [sflag:s22] =	dma.local [hbm:s7], s20  }
0xa0: {  	_ =	swait.ge [sflag:s22], s20  }
0xa1: {  	s6 =	ssub.s32 $0x0, s20;
	[sflag:s22] =	ssyncset.done $0x0  }
0xa2: {  	[sflag:s22] =	ssyncadd.s32 s6;
	_ =	sdelay $0x1  }
0xa3: {  	s23 =	simm.s32 $0x1B8B  }
0xa4: {  	_ =	swait.ge [sflag:s23], $0x1  }
0xa5: {  	[sflag:s23] =	ssyncset.done $0x0  }
0xa6: {  	s25 =	simm.s32 $0x1B8E;
	s24 =	sld [smem:$0x3FFE];
	[sflag:s23] =	ssyncadd.s32 $0xFFFFFFFF  }
0xa7: {  	s26 =	simm.s32 $execute0_lowered;
	[smem:$0x3FD2] =	sst s25  }
0xa8: {  	s7 =	sshll.u32 s26, $0x1;
	_ =	strace $0x80000046;
	[dreg:$0x1] =	wrdreg $0xFFFFFFFF  }
0xa9: {  	s28 =	simm.s32 $_size_execute0_lowered;
	s5 =	sadd.s32 s5, s7;
	[dreg:$0x0] =	wrdreg $0x0  }
0xaa: {  	s7 =	sshll.u32 s28, $0x1;
	[dreg:$0x2] =	wrdreg s5  }
0xab: {  	[dreg:$0x3] =	wrdreg s7  }
0xac: {  	[dreg:$0x4] =	wrdreg $0xC0  }
0xad: {  	_ =	task [dreg:s9], $0x5FFFF  }
0xae: {  	[dreg:$0x1] =	wrdreg $0xFFFFFFFF  }
0xaf: {  	[dreg:$0x0] =	wrdreg $0x60  }
0xb0: {  	[dreg:$0x2] =	wrdreg s24  }
0xb1: {  	[dreg:$0x3] =	wrdreg s2  }
0xb2: {  	[dreg:$0x4] =	wrdreg s18  }
0xb3: {  	[dreg:$0x5] =	wrdreg s4  }
0xb4: {  	[dreg:$0x6] =	wrdreg $0x9  }
0xb5: {  	_ =	task.clear_ibuf [dreg:s9], $0x7FFFF;
	_ =	strace $0x90000046  }
0xb6: {  	s29 =	simm.s32 $0x9;
	_ =	strace $0x80000048  }
0xb7: {  	_ =	swait.ge [sflag:s29], $0x1  }
0xb8: {  	[sflag:s29] =	ssyncadd.s32 $0xFFFFFFFF  }
0xb9: {  	_ =	strace $0x90000048  }
0xba: {  	_ =	sfence  }
0xbb: {  	s30 =	sld [smem:$0x0];
	_ =	sdelay $0x2  }
0xbc: {  	s31 =	sshll.u32 s1, $0xD;
	s1 =	sshrl.u32 s1, $0x2  }
0xbd: {  	s3 =	sand.u32 $0x4000, s31;
	s1 =	sadd.s32 s1, s30  }
0xbe: {  	s0 =	sor.u32 s3, s0;
	s1 =	sshll.u32 s1, $0x11  }
0xbf: {  	s0 =	sor.u32 s1, s0  }
0xc0: {  	s0 =	sadd.s32 $0x8F2B, s0  }
0xc1: {  	[sflag:s0] =	ssyncadd.remote.s32 $0x1  }
0xc2: {  	_ =	sfence.sel $0xFFFF  }
0xc3: {  	[dreg:$0x0] =	wrdreg $0xFFFFFFFF;
	(pc) =	sbr.abs _section_cstart, $3  }
0xc4: {  	[dreg:$0x1] =	wrdreg $0xFFFFFFFF  }
0xc5: {  	_ =	task.clear_ibuf [dreg:s9], $0x2FFFF;
	_ =	strace $0x9FFFFFFF  }
0xc6: {  	(tm) =	ssettm $0x7FFFFFFF  }
0xc7: {  	_ =	shalt  }
tec
execute0_lowered:
.L_overlay_start_1:
0x0: {  	(tag) =	ssettag $0x1  }
0x1: {  	s0 =	rddreg [dreg:$0x0]  }
0x2: {  	s1 =	rddreg [dreg:$0x1]  }
0x3: {  	s6 =	rddreg [dreg:$0x2]  }
0x4: {  	s7 =	rddreg [dreg:$0x3]  }
0x5: {  	s3 =	srdreg.scid;
	s4 =	stileid.u32;
	s2 =	simm.s32 $0x0  }
0x6: {  	s10 =	simm.s32 $0x2710;
	s11 =	simm.s32 $0x50;
	s12 =	simm.s32 $0x7530  }
0x7: {  	s13 =	simm.s32 $0xC530;
	s22 =	simm.s32 $0xB130;
	s23 =	simm.s32 $0x2800  }
0x8: {  	s24 =	simm.s32 $0x10130;
	s25 =	simm.s32 $0x1;
	s28 =	simm.s32 $0x2  }
0x9: {  	s29 =	simm.s32 $0x6;
	s30 =	simm.s32 $0x3;
	s31 =	simm.s32 $0x7  }
0xa: {  	s14 =	simm.s32 $0x4E20;
	s3 =	sand.u32 $0x1, s3;
	s4 =	sshll.u32 s4, $0x1  }
0xb: {  	[smem:$0x7FF] =	sst s2;
	s5 =	ssub.s32 $0x2, s3;
	s3 =	sor.u32 s3, s4  }
0xc: {  	s15 =	simm.s32 $0x0;
	_ =	strace $0x80000047;
	s9 =	smul.u32 $0x4E2, s3  }
0xd: {  	s4 =	sadd.s32 $0x24C000, s0;
	s8 =	sshrl.u32 s5, $0x1;
	s3 =	sadd.s32 $0x188A00, s0  }
0xe: {  	s0 =	simm.s32 $0x4;
	s26 =	ssub.s32 s5, s8;
	s5 =	sadd.s32 s1, s9  }
0xf: {  	v0 =	vlaneseq.u32;
	s6 =	sadd.s32 s6, s9;
	s7 =	sadd.s32 s7, s9;
	s8 =	smax.u32 s26, $0x1  }
0x10: {  	v0 =	vmul.u32 $0x40, v0;
	s9 =	simm.s32 $0x9;
	s26 =	simm.s32 $0x5;
	s1 =	simm.s32 $0x8  }
.LBB2_1:
0x11: {  	[tilespmem:s2], [sflag:$0x9] =	stream.linear.gather [hbm4b:s5+s2], $0x2710, $0x38;
	[tilespmem:$0x11530] =	vst v63  }
0x12: {  	_ =	swait.ge [sflag:s9], $0x2710  }
0x13: {  	[sflag:s9] =	ssyncset.done $0x0  }
0x14: {  	[sflag:s9] =	ssyncadd.s32 $0xFFFFD8F0  }
0x15: {  	[tilespmem:s10], [sflag:$0x9] =	stream.linear.gather [hbm4b:s6+s2], $0x2710, $0x38;
	[tilespmem:$0x11530] =	vst v63  }
0x16: {  	_ =	swait.ge [sflag:s9], $0x2710  }
0x17: {  	[sflag:s9] =	ssyncset.done $0x0  }
0x18: {  	[sflag:s9] =	ssyncadd.s32 $0xFFFFD8F0  }
0x19: {  	[tilespmem:s12], [sflag:$0x1] =	stream.indirect.gather [hbm4b:s3+s11], $0x40, s2, s11, $0xb8;
	[tilespmem:$0x11530] =	vst v63  }
0x1a: {  	_ = 	snop  }
0x1b: {  	[tilespmem:s13], [sflag:$0x5] =	stream.indirect.gather [hbm4b:s4+s11], $0x40, s10, s11, $0xb8;
	[tilespmem:$0x11530] =	vst v63  }
0x1c: {  	s16 =	simm.s32 $0x8930  }
0x1d: {  	[tilespmem:s16], [sflag:$0x2] =	stream.indirect.gather [hbm4b:s3+s11], $0x40, s11, s11, $0xb8;
	[tilespmem:$0x11530] =	vst v63  }
0x1e: {  	s21 =	simm.s32 $0x2760;
	s17 =	simm.s32 $0xD930  }
0x1f: {  	[tilespmem:s17], [sflag:$0x6] =	stream.indirect.gather [hbm4b:s4+s11], $0x40, s21, s11, $0xb8;
	[tilespmem:$0x11530] =	vst v63  }
0x20: {  	s18 =	simm.s32 $0x9D30;
	s17 =	simm.s32 $0xA0  }
0x21: {  	[tilespmem:s18], [sflag:$0x3] =	stream.indirect.gather [hbm4b:s3+s11], $0x40, s17, s11, $0xb8;
	[tilespmem:$0x11530] =	vst v63  }
0x22: {  	s19 =	simm.s32 $0x27B0;
	s20 =	simm.s32 $0xED30  }
0x23: {  	[tilespmem:s20], [sflag:$0x7] =	stream.indirect.gather [hbm4b:s4+s11], $0x40, s19, s11, $0xb8;
	[tilespmem:$0x11530] =	vst v63  }
0x24: {  	s21 =	simm.s32 $0xF0  }
0x25: {  	[tilespmem:s22], [sflag:$0x4] =	stream.indirect.gather [hbm4b:s3+s11], $0x40, s21, s11, $0xb8;
	[tilespmem:$0x11530] =	vst v63  }
0x26: {  	s16 =	simm.s32 $0x0  }
0x27: {  	[tilespmem:s24], [sflag:$0x8] =	stream.indirect.gather [hbm4b:s4+s11], $0x40, s23, s11, $0xb8;
	[tilespmem:$0x11530] =	vst v63  }
.LBB2_2:
0x28: {  	_ =	swait.ge [sflag:s25], $0x1400  }
0x29: {  	s17 =	smul.u32 $0x500, s16;
	[sflag:s25] =	ssyncset.done $0x0  }
0x2a: {  	[sflag:s25] =	ssyncadd.s32 $0xFFFFEC00  }
0x2b: {  	s18 =	sshra.s32 s17, $0x2;
	_ =	swait.ge [sflag:s26], $0x1400  }
0x2c: {  	s19 =	sadd.s32 $0x4E20, s18;
	[sflag:s26] =	ssyncset.done $0x0  }
0x2d: {  	s17 =	simm.s32 $0x0;
	v1 =	vmov s19;
	[sflag:s26] =	ssyncadd.s32 $0xFFFFEC00  }
.LBB2_3:
0x2e: {  	s19 =	sshll.u32 s17, $0x4  }
0x2f: {  	v2 =	vmov s19  }
0x30: {  	v2 =	vshll.u32 v2, $0x6  }
0x31: {  	v3 =	vimm.s32 $0x0;
	v2 =	vor.u32 v0, v2  }
0x32: {  	v4 =	vadd.s32 v2, v3;
	_ =	sdelay $0x1  }
0x33: {  	v5 =	vor.u32 $0x7, v4;
	_ =	sdelay $0x1  }
0x34: {  	v6 =	vor.u32 $0x6, v4  }
0x35: {  	v8 =	vld.idx.msk [tilespmem:v4+s12+$0x0], $0xffff  }
0x36: {  	v7 =	vor.u32 $0x5, v4;
	v10 =	vld.idx.msk [tilespmem:v4+s13+$0x0], $0xffff  }
0x37: {  	v19 =	vld.idx.msk [tilespmem:v5+s12+$0x0], $0xffff  }
0x38: {  	v9 =	vor.u32 $0x4, v4;
	v23 =	vld.idx.msk [tilespmem:v5+s13+$0x0], $0xffff  }
0x39: {  	v11 =	vld.idx.msk [tilespmem:v6+s12+$0x0], $0xffff  }
0x3a: {  	v12 =	vor.u32 $0x3, v4;
	v17 =	vld.idx.msk [tilespmem:v6+s13+$0x0], $0xffff  }
0x3b: {  	v18 =	vld.idx.msk [tilespmem:v7+s12+$0x0], $0xffff  }
0x3c: {  	v6 =	vor.u32 $0x2, v4;
	v20 =	vld.idx.msk [tilespmem:v7+s13+$0x0], $0xffff  }
0x3d: {  	v15 =	vld.idx.msk [tilespmem:v9+s12+$0x0], $0xffff  }
0x3e: {  	v4 =	vor.u32 $0x1, v4;
	v16 =	vld.idx.msk [tilespmem:v9+s13+$0x0], $0xffff;
	v5 =	vadd.s32 $0x8, v3  }
0x3f: {  	v21 =	vld.idx.msk [tilespmem:v12+s12+$0x0], $0xffff;
	v3 =	vimm.f32 $0.0e+00;
	v14 =	vadd.s32 v2, v5  }
0x40: {  	v12 =	vld.idx.msk [tilespmem:v12+s13+$0x0], $0xffff;
	v22 =	vor.u32 $0x5, v14;
	v24 =	vor.u32 $0x6, v14;
	v25 =	vor.u32 $0x7, v14  }
0x41: {  	v7 =	vor.u32 $0x2, v14;
	v9 =	vor.u32 $0x3, v14;
	v27 =	vor.u32 $0x4, v14;
	v13 =	vld.idx.msk [tilespmem:v6+s12+$0x0], $0xffff  }
0x42: {  	v29 =	vunpack.i.u.bf16.f32 v8;
	v8 =	vunpack.i.l.bf16.f32 v8;
	v30 =	vunpack.i.u.bf16.f32 v10;
	v26 =	vld.idx.msk [tilespmem:v6+s13+$0x0], $0xffff  }
0x43: {  	v10 =	vunpack.i.l.bf16.f32 v10;
	v28 =	vld.idx.msk [tilespmem:v4+s12+$0x0], $0xffff;
	v6 =	vor.u32 $0x1, v14;
	v31 =	vunpack.i.l.bf16.f32 v19  }
0x44: {  	v4 =	vld.idx.msk [tilespmem:v4+s13+$0x0], $0xffff;
	v32 =	vunpack.i.l.bf16.f32 v11;
	v35 =	vunpack.i.l.bf16.f32 v15;
	v36 =	vunpack.i.l.bf16.f32 v18  }
0x45: {  	v38 =	vunpack.i.l.bf16.f32 v21;
	v39 =	vunpack.i.l.bf16.f32 v12;
	v8 =	vmul.f32 v10, v8  }
0x46: {  	v10 =	vmul.f32 v30, v29;
	v21 =	vunpack.i.u.bf16.f32 v21;
	v12 =	vunpack.i.u.bf16.f32 v12  }
0x47: {  	v12 =	vmul.f32 v12, v21;
	v21 =	vunpack.i.u.bf16.f32 v15;
	v8 =	vadd.f32 v8, v3  }
0x48: {  	v3 =	vadd.f32 v10, v3;
	v41 =	vunpack.i.l.bf16.f32 v28;
	v42 =	vunpack.i.l.bf16.f32 v13  }
0x49: {  	v58 =	vunpack.i.l.bf16.f32 v4;
	v28 =	vunpack.i.u.bf16.f32 v28;
	v4 =	vunpack.i.u.bf16.f32 v4  }
0x4a: {  	v43 =	vunpack.i.l.bf16.f32 v26;
	v29 =	vmul.f32 v58, v41;
	v4 =	vmul.f32 v4, v28  }
0x4b: {  	v10 =	vunpack.i.u.bf16.f32 v13;
	v26 =	vunpack.i.u.bf16.f32 v26;
	v59 =	vmul.f32 v43, v42  }
0x4c: {  	v15 =	vld.idx.msk [tilespmem:v24+s12+$0x0], $0xffff;
	v10 =	vmul.f32 v26, v10;
	v8 =	vadd.f32 v29, v8;
	v4 =	vadd.f32 v4, v3  }
0x4d: {  	v37 =	vunpack.i.l.bf16.f32 v20;
	v40 =	vunpack.i.l.bf16.f32 v16;
	v16 =	vunpack.i.u.bf16.f32 v16;
	v13 =	vld.idx.msk [tilespmem:v14+s12+$0x0], $0xffff  }
0x4e: {  	v60 =	vmul.f32 v39, v38;
	v14 =	vld.idx.msk [tilespmem:v14+s13+$0x0], $0xffff;
	v8 =	vadd.f32 v59, v8;
	v10 =	vadd.f32 v10, v4  }
0x4f: {  	v18 =	vunpack.i.u.bf16.f32 v18;
	v20 =	vunpack.i.u.bf16.f32 v20;
	v61 =	vmul.f32 v40, v35;
	v3 =	vld.idx.msk [tilespmem:v25+s12+$0x0], $0xffff  }
0x50: {  	v4 =	vld.idx.msk [tilespmem:v25+s13+$0x0], $0xffff;
	v26 =	vadd.f32 v60, v8;
	v10 =	vadd.f32 v12, v10;
	v12 =	vmul.f32 v16, v21  }
0x51: {  	v33 =	vunpack.i.l.bf16.f32 v17;
	v34 =	vunpack.i.l.bf16.f32 v23;
	v18 =	vmul.f32 v20, v18;
	v16 =	vld.idx.msk [tilespmem:v24+s13+$0x0], $0xffff  }
0x52: {  	v21 =	vmul.f32 v37, v36;
	v8 =	vld.idx.msk [tilespmem:v22+s12+$0x0], $0xffff;
	v62 =	vadd.f32 v61, v26;
	v12 =	vadd.f32 v12, v10  }
0x53: {  	v63 =	vunpack.i.u.bf16.f32 v17;
	v17 =	vmul.f32 v33, v32;
	v10 =	vld.idx.msk [tilespmem:v22+s13+$0x0], $0xffff;
	v22 =	vunpack.i.u.bf16.f32 v11  }
0x54: {  	v11 =	vld.idx.msk [tilespmem:v27+s12+$0x0], $0xffff;
	v20 =	vadd.f32 v21, v62;
	v18 =	vadd.f32 v18, v12;
	v21 =	vmul.f32 v63, v22  }
0x55: {  	s20 =	simm.s32 $0x6;
	v23 =	vunpack.i.u.bf16.f32 v23;
	v12 =	vld.idx.msk [tilespmem:v27+s13+$0x0], $0xffff;
	v22 =	vunpack.i.u.bf16.f32 v19;
	v19 =	vmul.f32 v34, v31  }
.LBB2_4:
0x56: {  	p0 =	sne.s32 s20, $0x1;
	v24 =	vld.idx.msk [tilespmem:v9+s12+$0x0], $0xffff;
	v17 =	vadd.f32 v17, v20;
	v18 =	vadd.f32 v21, v18;
	v20 =	vmul.f32 v23, v22  }
0x57: {  	v5 =	vadd.s32 $0x8, v5;
	v22 =	vmov v15;
	v23 =	vmov v16;
	v21 =	vld.idx.msk [tilespmem:v9+s13+$0x0], $0xffff  }
0x58: {  	v15 =	vadd.s32 v2, v5;
	v16 =	vld.idx.msk [tilespmem:v7+s12+$0x0], $0xffff;
	v17 =	vadd.f32 v19, v17;
	v18 =	vadd.f32 v20, v18  }
0x59: {  	v19 =	vor.u32 $0x5, v15;
	v20 =	vor.u32 $0x6, v15;
	v25 =	vor.u32 $0x7, v15;
	v26 =	vld.idx.msk [tilespmem:v7+s13+$0x0], $0xffff  }
0x5a: {  	v9 =	vor.u32 $0x3, v15;
	v27 =	vor.u32 $0x4, v15;
	v7 =	vor.u32 $0x2, v15;
	v28 =	vld.idx.msk [tilespmem:v6+s12+$0x0], $0xffff  }
0x5b: {  	v29 =	vunpack.i.u.bf16.f32 v13;
	v13 =	vunpack.i.l.bf16.f32 v13;
	v30 =	vld.idx.msk [tilespmem:v6+s13+$0x0], $0xffff;
	v6 =	vor.u32 $0x1, v15  }
0x5c: {  	v31 =	vunpack.i.u.bf16.f32 v14;
	v14 =	vunpack.i.l.bf16.f32 v14;
	v32 =	vunpack.i.l.bf16.f32 v3  }
0x5d: {  	v35 =	vunpack.i.l.bf16.f32 v4;
	v33 =	vunpack.i.l.bf16.f32 v22;
	v34 =	vunpack.i.l.bf16.f32 v23  }
0x5e: {  	v37 =	vunpack.i.l.bf16.f32 v8;
	v38 =	vunpack.i.l.bf16.f32 v10;
	v36 =	vunpack.i.l.bf16.f32 v11  }
0x5f: {  	v41 =	vunpack.i.l.bf16.f32 v12;
	v39 =	vunpack.i.l.bf16.f32 v24;
	v40 =	vunpack.i.l.bf16.f32 v21  }
0x60: {  	v43 =	vunpack.i.l.bf16.f32 v16;
	v44 =	vunpack.i.l.bf16.f32 v26;
	v42 =	vunpack.i.l.bf16.f32 v28  }
0x61: {  	v13 =	vmul.f32 v14, v13;
	v14 =	vmul.f32 v31, v29;
	v29 =	vunpack.i.l.bf16.f32 v30  }
0x62: {  	v28 =	vunpack.i.u.bf16.f32 v28;
	v30 =	vunpack.i.u.bf16.f32 v30;
	v29 =	vmul.f32 v29, v42  }
0x63: {  	v17 =	vadd.f32 v13, v17;
	v14 =	vadd.f32 v14, v18;
	v18 =	vmul.f32 v30, v28  }
0x64: {  	v16 =	vunpack.i.u.bf16.f32 v16;
	v26 =	vunpack.i.u.bf16.f32 v26;
	v28 =	vmul.f32 v44, v43  }
0x65: {  	v16 =	vmul.f32 v26, v16;
	v17 =	vadd.f32 v29, v17;
	v18 =	vadd.f32 v18, v14;
	v13 =	vld.idx.msk [tilespmem:v15+s12+$0x0], $0xffff  }
0x66: {  	v21 =	vunpack.i.u.bf16.f32 v21;
	v14 =	vld.idx.msk [tilespmem:v15+s13+$0x0], $0xffff;
	v15 =	vunpack.i.u.bf16.f32 v24;
	v24 =	vmul.f32 v40, v39  }
0x67: {  	v17 =	vadd.f32 v28, v17;
	v16 =	vadd.f32 v16, v18;
	v26 =	vld.idx.msk [tilespmem:v25+s12+$0x0], $0xffff;
	v18 =	vmul.f32 v21, v15  }
0x68: {  	v11 =	vunpack.i.u.bf16.f32 v11;
	v12 =	vunpack.i.u.bf16.f32 v12;
	v21 =	vmul.f32 v41, v36;
	v25 =	vld.idx.msk [tilespmem:v25+s13+$0x0], $0xffff  }
0x69: {  	v11 =	vmul.f32 v12, v11;
	v17 =	vadd.f32 v24, v17;
	v15 =	vld.idx.msk [tilespmem:v20+s12+$0x0], $0xffff;
	v18 =	vadd.f32 v18, v16  }
.Ltmp0:
0x6a: {  	v10 =	vunpack.i.u.bf16.f32 v10;
	v12 =	vunpack.i.u.bf16.f32 v8;
	v16 =	vld.idx.msk [tilespmem:v20+s13+$0x0], $0xffff;
	v20 =	vmul.f32 v38, v37;
	(pc) =	sbr.rel @p0 .LBB2_4-.Ltmp0, $4  }
0x6b: {  	v12 =	vmul.f32 v10, v12;
	v21 =	vadd.f32 v21, v17;
	v8 =	vld.idx.msk [tilespmem:v19+s12+$0x0], $0xffff;
	v18 =	vadd.f32 v11, v18  }
0x6c: {  	v17 =	vmul.f32 v34, v33;
	v10 =	vld.idx.msk [tilespmem:v19+s13+$0x0], $0xffff;
	v19 =	vunpack.i.u.bf16.f32 v22;
	v22 =	vunpack.i.u.bf16.f32 v23  }
0x6d: {  	v20 =	vadd.f32 v20, v21;
	v11 =	vld.idx.msk [tilespmem:v27+s12+$0x0], $0xffff;
	v18 =	vadd.f32 v12, v18;
	v21 =	vmul.f32 v22, v19  }
0x6e: {  	s20 =	sadd.s32 $0xFFFFFFFF, s20;
	v23 =	vunpack.i.u.bf16.f32 v4;
	v22 =	vunpack.i.u.bf16.f32 v3;
	v19 =	vmul.f32 v35, v32;
	v3 =	vmovc v26;
	v4 =	vmovc v25;
	v12 =	vld.idx.msk [tilespmem:v27+s13+$0x0], $0xffff  }
0x6f: {  	_ =	sdelay $0x3  }
0x70: {  	v2 =	vld.idx.msk [tilespmem:v9+s12+$0x0], $0xffff;
	v5 =	vadd.f32 v17, v20  }
0x71: {  	v58 =	vld.idx.msk [tilespmem:v9+s13+$0x0], $0xffff;
	v59 =	vadd.f32 v21, v18;
	v60 =	vmul.f32 v23, v22;
	v36 =	vunpack.i.u.bf16.f32 v13  }
0x72: {  	v61 =	vld.idx.msk [tilespmem:v7+s12+$0x0], $0xffff;
	v37 =	vunpack.i.l.bf16.f32 v13;
	v39 =	vunpack.i.u.bf16.f32 v14;
	v40 =	vunpack.i.l.bf16.f32 v14  }
0x73: {  	v63 =	vld.idx.msk [tilespmem:v6+s12+$0x0], $0xffff;
	v41 =	vunpack.i.l.bf16.f32 v3;
	v42 =	vunpack.i.l.bf16.f32 v15;
	v24 =	vunpack.i.l.bf16.f32 v16  }
0x74: {  	v38 =	vld.idx.msk [tilespmem:v6+s13+$0x0], $0xffff;
	v25 =	vunpack.i.l.bf16.f32 v4;
	v27 =	vunpack.i.l.bf16.f32 v8;
	v13 =	vmul.f32 v40, v37  }
0x75: {  	v62 =	vld.idx.msk [tilespmem:v7+s13+$0x0], $0xffff;
	v43 =	vmul.f32 v39, v36;
	v5 =	vadd.f32 v19, v5;
	v17 =	vadd.f32 v60, v59  }
0x76: {  	v28 =	vunpack.i.l.bf16.f32 v10;
	v26 =	vunpack.i.l.bf16.f32 v11;
	v31 =	vunpack.i.l.bf16.f32 v12  }
0x77: {  	v5 =	vadd.f32 v13, v5;
	v45 =	vadd.f32 v43, v17;
	v29 =	vunpack.i.l.bf16.f32 v2  }
0x78: {  	v30 =	vunpack.i.l.bf16.f32 v58;
	v32 =	vunpack.i.l.bf16.f32 v63;
	v33 =	vunpack.i.l.bf16.f32 v61  }
0x79: {  	v44 =	vunpack.i.l.bf16.f32 v38;
	v18 =	vunpack.i.u.bf16.f32 v63;
	v6 =	vunpack.i.u.bf16.f32 v38  }
0x7a: {  	v34 =	vunpack.i.l.bf16.f32 v62;
	v19 =	vmul.f32 v44, v32;
	v6 =	vmul.f32 v6, v18  }
0x7b: {  	v46 =	vunpack.i.u.bf16.f32 v61;
	v7 =	vunpack.i.u.bf16.f32 v62;
	v47 =	vmul.f32 v34, v33  }
0x7c: {  	v7 =	vmul.f32 v7, v46;
	v5 =	vadd.f32 v19, v5;
	v6 =	vadd.f32 v6, v45  }
0x7d: {  	v2 =	vunpack.i.u.bf16.f32 v2;
	v9 =	vunpack.i.u.bf16.f32 v58;
	v48 =	vmul.f32 v30, v29  }
0x7e: {  	v2 =	vmul.f32 v9, v2;
	v5 =	vadd.f32 v47, v5;
	v6 =	vadd.f32 v7, v6  }
0x7f: {  	v49 =	vunpack.i.u.bf16.f32 v11;
	v50 =	vunpack.i.u.bf16.f32 v12;
	v51 =	vmul.f32 v31, v26  }
0x80: {  	v52 =	vmul.f32 v50, v49;
	v5 =	vadd.f32 v48, v5;
	v2 =	vadd.f32 v2, v6  }
0x81: {  	v53 =	vunpack.i.u.bf16.f32 v8;
	v54 =	vunpack.i.u.bf16.f32 v10;
	v55 =	vmul.f32 v28, v27  }
0x82: {  	v56 =	vmul.f32 v54, v53;
	v5 =	vadd.f32 v51, v5;
	v2 =	vadd.f32 v52, v2  }
0x83: {  	v57 =	vunpack.i.u.bf16.f32 v15;
	v59 =	vmul.f32 v24, v42;
	v58 =	vunpack.i.u.bf16.f32 v16  }
0x84: {  	v60 =	vmul.f32 v58, v57;
	v5 =	vadd.f32 v55, v5;
	v2 =	vadd.f32 v56, v2  }
0x85: {  	v3 =	vunpack.i.u.bf16.f32 v3;
	v61 =	vunpack.i.u.bf16.f32 v4;
	v62 =	vmul.f32 v25, v41  }
0x86: {  	s17 =	sadd.s32 $0x1, s17;
	v3 =	vmul.f32 v61, v3;
	v5 =	vadd.f32 v59, v5;
	v2 =	vadd.f32 v60, v2  }
0x87: {  	p0 =	sne.s32 s17, $0x5  }
.Ltmp1:
0x88: {  	v63 =	vadd.f32 v62, v5;
	v2 =	vadd.f32 v3, v2;
	(pc) =	sbr.rel @p0 .LBB2_3-.Ltmp1, $3  }
0x89: {  	_ = 	snop  }
0x8a: {  	v2 =	vadd.f32 v2, v63;
	_ =	sdelay $0x1  }
0x8b: {  	[tilespmem:v1+s19+$0x0 ss:$0x1] =	vst.idx.msk $0xffff, v2  }
0x8c: {  	s17 =	smul.u32 $0x140, s16;
	_ =	sdelay $0x1  }
0x8d: {  	s19 =	sadd.s32 $0x140, s17  }
0x8e: {  	[tilespmem:s12], [sflag:$0x1] =	stream.indirect.gather [hbm4b:s3+s11], $0x40, s19, s11, $0xb8;
	[tilespmem:$0x11530] =	vst v63  }
0x8f: {  	s21 =	sadd.s32 $0x2850, s17  }
0x90: {  	[tilespmem:s13], [sflag:$0x5] =	stream.indirect.gather [hbm4b:s4+s11], $0x40, s21, s11, $0xb8;
	[tilespmem:$0x11530] =	vst v63  }
0x91: {  	_ =	swait.ge [sflag:s28], $0x1400  }
0x92: {  	[sflag:s28] =	ssyncset.done $0x0  }
0x93: {  	[sflag:s28] =	ssyncadd.s32 $0xFFFFEC00  }
0x94: {  	_ =	swait.ge [sflag:s29], $0x1400  }
0x95: {  	s20 =	sadd.s32 $0x4E70, s18;
	[sflag:s29] =	ssyncset.done $0x0  }
0x96: {  	v1 =	vmov s20;
	s19 =	simm.s32 $0x0;
	[sflag:s29] =	ssyncadd.s32 $0xFFFFEC00  }
.LBB2_7:
0x97: {  	s20 =	sshll.u32 s19, $0x4  }
0x98: {  	s21 =	sadd.s32 $0x50, s20  }
0x99: {  	v2 =	vmov s21  }
0x9a: {  	v2 =	vshll.u32 v2, $0x6  }
0x9b: {  	v3 =	vimm.s32 $0x0;
	v2 =	vor.u32 v0, v2  }
0x9c: {  	v4 =	vadd.s32 v2, v3;
	_ =	sdelay $0x1  }
0x9d: {  	v5 =	vor.u32 $0x7, v4;
	_ =	sdelay $0x1  }
0x9e: {  	v6 =	vor.u32 $0x6, v4  }
0x9f: {  	v8 =	vld.idx.msk [tilespmem:v4+s12+$0x0], $0xffff  }
0xa0: {  	v7 =	vor.u32 $0x5, v4;
	v10 =	vld.idx.msk [tilespmem:v4+s13+$0x0], $0xffff  }
0xa1: {  	v19 =	vld.idx.msk [tilespmem:v5+s12+$0x0], $0xffff  }
0xa2: {  	v9 =	vor.u32 $0x4, v4;
	v23 =	vld.idx.msk [tilespmem:v5+s13+$0x0], $0xffff  }
0xa3: {  	v11 =	vld.idx.msk [tilespmem:v6+s12+$0x0], $0xffff  }
0xa4: {  	v12 =	vor.u32 $0x3, v4;
	v17 =	vld.idx.msk [tilespmem:v6+s13+$0x0], $0xffff  }
0xa5: {  	v18 =	vld.idx.msk [tilespmem:v7+s12+$0x0], $0xffff  }
0xa6: {  	v6 =	vor.u32 $0x2, v4;
	v20 =	vld.idx.msk [tilespmem:v7+s13+$0x0], $0xffff  }
0xa7: {  	v15 =	vld.idx.msk [tilespmem:v9+s12+$0x0], $0xffff  }
0xa8: {  	v4 =	vor.u32 $0x1, v4;
	v16 =	vld.idx.msk [tilespmem:v9+s13+$0x0], $0xffff;
	v5 =	vadd.s32 $0x8, v3  }
0xa9: {  	v21 =	vld.idx.msk [tilespmem:v12+s12+$0x0], $0xffff;
	v3 =	vimm.f32 $0.0e+00;
	v14 =	vadd.s32 v2, v5  }
0xaa: {  	v12 =	vld.idx.msk [tilespmem:v12+s13+$0x0], $0xffff;
	v22 =	vor.u32 $0x5, v14;
	v24 =	vor.u32 $0x6, v14;
	v25 =	vor.u32 $0x7, v14  }
0xab: {  	v7 =	vor.u32 $0x2, v14;
	v9 =	vor.u32 $0x3, v14;
	v27 =	vor.u32 $0x4, v14;
	v13 =	vld.idx.msk [tilespmem:v6+s12+$0x0], $0xffff  }
0xac: {  	v29 =	vunpack.i.u.bf16.f32 v8;
	v8 =	vunpack.i.l.bf16.f32 v8;
	v30 =	vunpack.i.u.bf16.f32 v10;
	v26 =	vld.idx.msk [tilespmem:v6+s13+$0x0], $0xffff  }
0xad: {  	v10 =	vunpack.i.l.bf16.f32 v10;
	v28 =	vld.idx.msk [tilespmem:v4+s12+$0x0], $0xffff;
	v6 =	vor.u32 $0x1, v14;
	v31 =	vunpack.i.l.bf16.f32 v19  }
0xae: {  	v4 =	vld.idx.msk [tilespmem:v4+s13+$0x0], $0xffff;
	v32 =	vunpack.i.l.bf16.f32 v11;
	v35 =	vunpack.i.l.bf16.f32 v15;
	v36 =	vunpack.i.l.bf16.f32 v18  }
0xaf: {  	v38 =	vunpack.i.l.bf16.f32 v21;
	v39 =	vunpack.i.l.bf16.f32 v12;
	v8 =	vmul.f32 v10, v8  }
0xb0: {  	v10 =	vmul.f32 v30, v29;
	v21 =	vunpack.i.u.bf16.f32 v21;
	v12 =	vunpack.i.u.bf16.f32 v12  }
0xb1: {  	v12 =	vmul.f32 v12, v21;
	v21 =	vunpack.i.u.bf16.f32 v15;
	v8 =	vadd.f32 v8, v3  }
0xb2: {  	v3 =	vadd.f32 v10, v3;
	v41 =	vunpack.i.l.bf16.f32 v28;
	v42 =	vunpack.i.l.bf16.f32 v13  }
0xb3: {  	v58 =	vunpack.i.l.bf16.f32 v4;
	v28 =	vunpack.i.u.bf16.f32 v28;
	v4 =	vunpack.i.u.bf16.f32 v4  }
0xb4: {  	v43 =	vunpack.i.l.bf16.f32 v26;
	v29 =	vmul.f32 v58, v41;
	v4 =	vmul.f32 v4, v28  }
0xb5: {  	v10 =	vunpack.i.u.bf16.f32 v13;
	v26 =	vunpack.i.u.bf16.f32 v26;
	v59 =	vmul.f32 v43, v42  }
0xb6: {  	v15 =	vld.idx.msk [tilespmem:v24+s12+$0x0], $0xffff;
	v10 =	vmul.f32 v26, v10;
	v8 =	vadd.f32 v29, v8;
	v4 =	vadd.f32 v4, v3  }
0xb7: {  	v37 =	vunpack.i.l.bf16.f32 v20;
	v40 =	vunpack.i.l.bf16.f32 v16;
	v16 =	vunpack.i.u.bf16.f32 v16;
	v13 =	vld.idx.msk [tilespmem:v14+s12+$0x0], $0xffff  }
0xb8: {  	v60 =	vmul.f32 v39, v38;
	v14 =	vld.idx.msk [tilespmem:v14+s13+$0x0], $0xffff;
	v8 =	vadd.f32 v59, v8;
	v10 =	vadd.f32 v10, v4  }
0xb9: {  	v18 =	vunpack.i.u.bf16.f32 v18;
	v20 =	vunpack.i.u.bf16.f32 v20;
	v61 =	vmul.f32 v40, v35;
	v3 =	vld.idx.msk [tilespmem:v25+s12+$0x0], $0xffff  }
0xba: {  	v4 =	vld.idx.msk [tilespmem:v25+s13+$0x0], $0xffff;
	v26 =	vadd.f32 v60, v8;
	v10 =	vadd.f32 v12, v10;
	v12 =	vmul.f32 v16, v21  }
0xbb: {  	v33 =	vunpack.i.l.bf16.f32 v17;
	v34 =	vunpack.i.l.bf16.f32 v23;
	v18 =	vmul.f32 v20, v18;
	v16 =	vld.idx.msk [tilespmem:v24+s13+$0x0], $0xffff  }
0xbc: {  	v21 =	vmul.f32 v37, v36;
	v8 =	vld.idx.msk [tilespmem:v22+s12+$0x0], $0xffff;
	v62 =	vadd.f32 v61, v26;
	v12 =	vadd.f32 v12, v10  }
0xbd: {  	v63 =	vunpack.i.u.bf16.f32 v17;
	v17 =	vmul.f32 v33, v32;
	v10 =	vld.idx.msk [tilespmem:v22+s13+$0x0], $0xffff;
	v22 =	vunpack.i.u.bf16.f32 v11  }
0xbe: {  	v11 =	vld.idx.msk [tilespmem:v27+s12+$0x0], $0xffff;
	v20 =	vadd.f32 v21, v62;
	v18 =	vadd.f32 v18, v12;
	v21 =	vmul.f32 v63, v22  }
0xbf: {  	s21 =	simm.s32 $0x6;
	v23 =	vunpack.i.u.bf16.f32 v23;
	v12 =	vld.idx.msk [tilespmem:v27+s13+$0x0], $0xffff;
	v22 =	vunpack.i.u.bf16.f32 v19;
	v19 =	vmul.f32 v34, v31  }
.LBB2_8:
0xc0: {  	p0 =	sne.s32 s21, $0x1;
	v24 =	vld.idx.msk [tilespmem:v9+s12+$0x0], $0xffff;
	v17 =	vadd.f32 v17, v20;
	v18 =	vadd.f32 v21, v18;
	v20 =	vmul.f32 v23, v22  }
0xc1: {  	v5 =	vadd.s32 $0x8, v5;
	v22 =	vmov v15;
	v23 =	vmov v16;
	v21 =	vld.idx.msk [tilespmem:v9+s13+$0x0], $0xffff  }
0xc2: {  	v15 =	vadd.s32 v2, v5;
	v16 =	vld.idx.msk [tilespmem:v7+s12+$0x0], $0xffff;
	v17 =	vadd.f32 v19, v17;
	v18 =	vadd.f32 v20, v18  }
0xc3: {  	v19 =	vor.u32 $0x5, v15;
	v20 =	vor.u32 $0x6, v15;
	v25 =	vor.u32 $0x7, v15;
	v26 =	vld.idx.msk [tilespmem:v7+s13+$0x0], $0xffff  }
0xc4: {  	v9 =	vor.u32 $0x3, v15;
	v27 =	vor.u32 $0x4, v15;
	v7 =	vor.u32 $0x2, v15;
	v28 =	vld.idx.msk [tilespmem:v6+s12+$0x0], $0xffff  }
0xc5: {  	v29 =	vunpack.i.u.bf16.f32 v13;
	v13 =	vunpack.i.l.bf16.f32 v13;
	v30 =	vld.idx.msk [tilespmem:v6+s13+$0x0], $0xffff;
	v6 =	vor.u32 $0x1, v15  }
0xc6: {  	v31 =	vunpack.i.u.bf16.f32 v14;
	v14 =	vunpack.i.l.bf16.f32 v14;
	v32 =	vunpack.i.l.bf16.f32 v3  }
0xc7: {  	v35 =	vunpack.i.l.bf16.f32 v4;
	v33 =	vunpack.i.l.bf16.f32 v22;
	v34 =	vunpack.i.l.bf16.f32 v23  }
0xc8: {  	v37 =	vunpack.i.l.bf16.f32 v8;
	v38 =	vunpack.i.l.bf16.f32 v10;
	v36 =	vunpack.i.l.bf16.f32 v11  }
0xc9: {  	v41 =	vunpack.i.l.bf16.f32 v12;
	v39 =	vunpack.i.l.bf16.f32 v24;
	v40 =	vunpack.i.l.bf16.f32 v21  }
0xca: {  	v43 =	vunpack.i.l.bf16.f32 v16;
	v44 =	vunpack.i.l.bf16.f32 v26;
	v42 =	vunpack.i.l.bf16.f32 v28  }
0xcb: {  	v13 =	vmul.f32 v14, v13;
	v14 =	vmul.f32 v31, v29;
	v29 =	vunpack.i.l.bf16.f32 v30  }
0xcc: {  	v28 =	vunpack.i.u.bf16.f32 v28;
	v30 =	vunpack.i.u.bf16.f32 v30;
	v29 =	vmul.f32 v29, v42  }
0xcd: {  	v17 =	vadd.f32 v13, v17;
	v14 =	vadd.f32 v14, v18;
	v18 =	vmul.f32 v30, v28  }
0xce: {  	v16 =	vunpack.i.u.bf16.f32 v16;
	v26 =	vunpack.i.u.bf16.f32 v26;
	v28 =	vmul.f32 v44, v43  }
0xcf: {  	v16 =	vmul.f32 v26, v16;
	v17 =	vadd.f32 v29, v17;
	v18 =	vadd.f32 v18, v14;
	v13 =	vld.idx.msk [tilespmem:v15+s12+$0x0], $0xffff  }
0xd0: {  	v21 =	vunpack.i.u.bf16.f32 v21;
	v14 =	vld.idx.msk [tilespmem:v15+s13+$0x0], $0xffff;
	v15 =	vunpack.i.u.bf16.f32 v24;
	v24 =	vmul.f32 v40, v39  }
0xd1: {  	v17 =	vadd.f32 v28, v17;
	v16 =	vadd.f32 v16, v18;
	v26 =	vld.idx.msk [tilespmem:v25+s12+$0x0], $0xffff;
	v18 =	vmul.f32 v21, v15  }
0xd2: {  	v11 =	vunpack.i.u.bf16.f32 v11;
	v12 =	vunpack.i.u.bf16.f32 v12;
	v21 =	vmul.f32 v41, v36;
	v25 =	vld.idx.msk [tilespmem:v25+s13+$0x0], $0xffff  }
0xd3: {  	v11 =	vmul.f32 v12, v11;
	v17 =	vadd.f32 v24, v17;
	v15 =	vld.idx.msk [tilespmem:v20+s12+$0x0], $0xffff;
	v18 =	vadd.f32 v18, v16  }
.Ltmp2:
0xd4: {  	v10 =	vunpack.i.u.bf16.f32 v10;
	v12 =	vunpack.i.u.bf16.f32 v8;
	v16 =	vld.idx.msk [tilespmem:v20+s13+$0x0], $0xffff;
	v20 =	vmul.f32 v38, v37;
	(pc) =	sbr.rel @p0 .LBB2_8-.Ltmp2, $4  }
0xd5: {  	v12 =	vmul.f32 v10, v12;
	v21 =	vadd.f32 v21, v17;
	v8 =	vld.idx.msk [tilespmem:v19+s12+$0x0], $0xffff;
	v18 =	vadd.f32 v11, v18  }
0xd6: {  	v17 =	vmul.f32 v34, v33;
	v10 =	vld.idx.msk [tilespmem:v19+s13+$0x0], $0xffff;
	v19 =	vunpack.i.u.bf16.f32 v22;
	v22 =	vunpack.i.u.bf16.f32 v23  }
0xd7: {  	v20 =	vadd.f32 v20, v21;
	v11 =	vld.idx.msk [tilespmem:v27+s12+$0x0], $0xffff;
	v18 =	vadd.f32 v12, v18;
	v21 =	vmul.f32 v22, v19  }
0xd8: {  	s21 =	sadd.s32 $0xFFFFFFFF, s21;
	v23 =	vunpack.i.u.bf16.f32 v4;
	v22 =	vunpack.i.u.bf16.f32 v3;
	v19 =	vmul.f32 v35, v32;
	v3 =	vmovc v26;
	v4 =	vmovc v25;
	v12 =	vld.idx.msk [tilespmem:v27+s13+$0x0], $0xffff  }
0xd9: {  	_ =	sdelay $0x3  }
0xda: {  	v2 =	vld.idx.msk [tilespmem:v9+s12+$0x0], $0xffff;
	v5 =	vadd.f32 v17, v20  }
0xdb: {  	v58 =	vld.idx.msk [tilespmem:v9+s13+$0x0], $0xffff;
	v59 =	vadd.f32 v21, v18;
	v60 =	vmul.f32 v23, v22;
	v36 =	vunpack.i.u.bf16.f32 v13  }
0xdc: {  	v61 =	vld.idx.msk [tilespmem:v7+s12+$0x0], $0xffff;
	v37 =	vunpack.i.l.bf16.f32 v13;
	v39 =	vunpack.i.u.bf16.f32 v14;
	v40 =	vunpack.i.l.bf16.f32 v14  }
0xdd: {  	v63 =	vld.idx.msk [tilespmem:v6+s12+$0x0], $0xffff;
	v41 =	vunpack.i.l.bf16.f32 v3;
	v42 =	vunpack.i.l.bf16.f32 v15;
	v24 =	vunpack.i.l.bf16.f32 v16  }
0xde: {  	v38 =	vld.idx.msk [tilespmem:v6+s13+$0x0], $0xffff;
	v25 =	vunpack.i.l.bf16.f32 v4;
	v27 =	vunpack.i.l.bf16.f32 v8;
	v13 =	vmul.f32 v40, v37  }
0xdf: {  	v62 =	vld.idx.msk [tilespmem:v7+s13+$0x0], $0xffff;
	v43 =	vmul.f32 v39, v36;
	v5 =	vadd.f32 v19, v5;
	v17 =	vadd.f32 v60, v59  }
0xe0: {  	v28 =	vunpack.i.l.bf16.f32 v10;
	v26 =	vunpack.i.l.bf16.f32 v11;
	v31 =	vunpack.i.l.bf16.f32 v12  }
0xe1: {  	v5 =	vadd.f32 v13, v5;
	v45 =	vadd.f32 v43, v17;
	v29 =	vunpack.i.l.bf16.f32 v2  }
0xe2: {  	v30 =	vunpack.i.l.bf16.f32 v58;
	v32 =	vunpack.i.l.bf16.f32 v63;
	v33 =	vunpack.i.l.bf16.f32 v61  }
0xe3: {  	v44 =	vunpack.i.l.bf16.f32 v38;
	v18 =	vunpack.i.u.bf16.f32 v63;
	v6 =	vunpack.i.u.bf16.f32 v38  }
0xe4: {  	v34 =	vunpack.i.l.bf16.f32 v62;
	v19 =	vmul.f32 v44, v32;
	v6 =	vmul.f32 v6, v18  }
0xe5: {  	v46 =	vunpack.i.u.bf16.f32 v61;
	v7 =	vunpack.i.u.bf16.f32 v62;
	v47 =	vmul.f32 v34, v33  }
0xe6: {  	v7 =	vmul.f32 v7, v46;
	v5 =	vadd.f32 v19, v5;
	v6 =	vadd.f32 v6, v45  }
0xe7: {  	v2 =	vunpack.i.u.bf16.f32 v2;
	v9 =	vunpack.i.u.bf16.f32 v58;
	v48 =	vmul.f32 v30, v29  }
0xe8: {  	v2 =	vmul.f32 v9, v2;
	v5 =	vadd.f32 v47, v5;
	v6 =	vadd.f32 v7, v6  }
0xe9: {  	v49 =	vunpack.i.u.bf16.f32 v11;
	v50 =	vunpack.i.u.bf16.f32 v12;
	v51 =	vmul.f32 v31, v26  }
0xea: {  	v52 =	vmul.f32 v50, v49;
	v5 =	vadd.f32 v48, v5;
	v2 =	vadd.f32 v2, v6  }
0xeb: {  	v53 =	vunpack.i.u.bf16.f32 v8;
	v54 =	vunpack.i.u.bf16.f32 v10;
	v55 =	vmul.f32 v28, v27  }
0xec: {  	v56 =	vmul.f32 v54, v53;
	v5 =	vadd.f32 v51, v5;
	v2 =	vadd.f32 v52, v2  }
0xed: {  	v57 =	vunpack.i.u.bf16.f32 v15;
	v59 =	vmul.f32 v24, v42;
	v58 =	vunpack.i.u.bf16.f32 v16  }
0xee: {  	v60 =	vmul.f32 v58, v57;
	v5 =	vadd.f32 v55, v5;
	v2 =	vadd.f32 v56, v2  }
0xef: {  	v3 =	vunpack.i.u.bf16.f32 v3;
	v61 =	vunpack.i.u.bf16.f32 v4;
	v62 =	vmul.f32 v25, v41  }
0xf0: {  	s19 =	sadd.s32 $0x1, s19;
	v3 =	vmul.f32 v61, v3;
	v5 =	vadd.f32 v59, v5;
	v2 =	vadd.f32 v60, v2  }
0xf1: {  	p0 =	sne.s32 s19, $0x5  }
.Ltmp3:
0xf2: {  	v63 =	vadd.f32 v62, v5;
	v2 =	vadd.f32 v3, v2;
	(pc) =	sbr.rel @p0 .LBB2_7-.Ltmp3, $3  }
0xf3: {  	_ = 	snop  }
0xf4: {  	v2 =	vadd.f32 v2, v63;
	_ =	sdelay $0x1  }
0xf5: {  	[tilespmem:v1+s20+$0x0 ss:$0x1] =	vst.idx.msk $0xffff, v2  }
0xf6: {  	p0 =	seq.s32 s16, $0x1E  }
0xf7: {  	s19 =	sadd.s32 @!p0 $0x190, s17;
	s20 =	simm.s32 @!p0 $0x50;
	s21 =	simm.s32 @!p0 $0x8930  }
0xf8: {  	[tilespmem:s21], [sflag:$0x2] =	stream.indirect.gather @!p0 [hbm4b:s3+s20], $0x40, s19, s20, $0xb8;
	[tilespmem:$0x11530] =	vst v63  }
0xf9: {  	s19 =	sadd.s32 @!p0 $0x28A0, s17;
	s21 =	simm.s32 @!p0 $0xD930  }
0xfa: {  	[tilespmem:s21], [sflag:$0x6] =	stream.indirect.gather @!p0 [hbm4b:s4+s20], $0x40, s19, s20, $0xb8;
	[tilespmem:$0x11530] =	vst v63  }
0xfb: {  	_ =	swait.ge [sflag:s30], $0x1400  }
0xfc: {  	[sflag:s30] =	ssyncset.done $0x0  }
0xfd: {  	[sflag:s30] =	ssyncadd.s32 $0xFFFFEC00  }
0xfe: {  	_ =	swait.ge [sflag:s31], $0x1400  }
0xff: {  	s21 =	sadd.s32 $0x4EC0, s18;
	[sflag:s31] =	ssyncset.done $0x0  }
0x100: {  	s19 =	simm.s32 $0x0;
	v1 =	vmov s21;
	[sflag:s31] =	ssyncadd.s32 $0xFFFFEC00  }
.LBB2_11:
0x101: {  	s20 =	sshll.u32 s19, $0x4  }
0x102: {  	s21 =	sadd.s32 $0xA0, s20  }
0x103: {  	v2 =	vmov s21  }
0x104: {  	v2 =	vshll.u32 v2, $0x6  }
0x105: {  	v3 =	vimm.s32 $0x0;
	v2 =	vor.u32 v0, v2  }
0x106: {  	v4 =	vadd.s32 v2, v3;
	_ =	sdelay $0x1  }
0x107: {  	v5 =	vor.u32 $0x7, v4;
	_ =	sdelay $0x1  }
0x108: {  	v6 =	vor.u32 $0x6, v4  }
0x109: {  	v8 =	vld.idx.msk [tilespmem:v4+s12+$0x0], $0xffff  }
0x10a: {  	v7 =	vor.u32 $0x5, v4;
	v10 =	vld.idx.msk [tilespmem:v4+s13+$0x0], $0xffff  }
0x10b: {  	v19 =	vld.idx.msk [tilespmem:v5+s12+$0x0], $0xffff  }
0x10c: {  	v9 =	vor.u32 $0x4, v4;
	v23 =	vld.idx.msk [tilespmem:v5+s13+$0x0], $0xffff  }
0x10d: {  	v11 =	vld.idx.msk [tilespmem:v6+s12+$0x0], $0xffff  }
0x10e: {  	v12 =	vor.u32 $0x3, v4;
	v17 =	vld.idx.msk [tilespmem:v6+s13+$0x0], $0xffff  }
0x10f: {  	v18 =	vld.idx.msk [tilespmem:v7+s12+$0x0], $0xffff  }
0x110: {  	v6 =	vor.u32 $0x2, v4;
	v20 =	vld.idx.msk [tilespmem:v7+s13+$0x0], $0xffff  }
0x111: {  	v15 =	vld.idx.msk [tilespmem:v9+s12+$0x0], $0xffff  }
0x112: {  	v4 =	vor.u32 $0x1, v4;
	v16 =	vld.idx.msk [tilespmem:v9+s13+$0x0], $0xffff;
	v5 =	vadd.s32 $0x8, v3  }
0x113: {  	v21 =	vld.idx.msk [tilespmem:v12+s12+$0x0], $0xffff;
	v3 =	vimm.f32 $0.0e+00;
	v14 =	vadd.s32 v2, v5  }
0x114: {  	v12 =	vld.idx.msk [tilespmem:v12+s13+$0x0], $0xffff;
	v22 =	vor.u32 $0x5, v14;
	v24 =	vor.u32 $0x6, v14;
	v25 =	vor.u32 $0x7, v14  }
0x115: {  	v7 =	vor.u32 $0x2, v14;
	v9 =	vor.u32 $0x3, v14;
	v27 =	vor.u32 $0x4, v14;
	v13 =	vld.idx.msk [tilespmem:v6+s12+$0x0], $0xffff  }
0x116: {  	v29 =	vunpack.i.u.bf16.f32 v8;
	v8 =	vunpack.i.l.bf16.f32 v8;
	v30 =	vunpack.i.u.bf16.f32 v10;
	v26 =	vld.idx.msk [tilespmem:v6+s13+$0x0], $0xffff  }
0x117: {  	v10 =	vunpack.i.l.bf16.f32 v10;
	v28 =	vld.idx.msk [tilespmem:v4+s12+$0x0], $0xffff;
	v6 =	vor.u32 $0x1, v14;
	v31 =	vunpack.i.l.bf16.f32 v19  }
0x118: {  	v4 =	vld.idx.msk [tilespmem:v4+s13+$0x0], $0xffff;
	v32 =	vunpack.i.l.bf16.f32 v11;
	v35 =	vunpack.i.l.bf16.f32 v15;
	v36 =	vunpack.i.l.bf16.f32 v18  }
0x119: {  	v38 =	vunpack.i.l.bf16.f32 v21;
	v39 =	vunpack.i.l.bf16.f32 v12;
	v8 =	vmul.f32 v10, v8  }
0x11a: {  	v10 =	vmul.f32 v30, v29;
	v21 =	vunpack.i.u.bf16.f32 v21;
	v12 =	vunpack.i.u.bf16.f32 v12  }
0x11b: {  	v12 =	vmul.f32 v12, v21;
	v21 =	vunpack.i.u.bf16.f32 v15;
	v8 =	vadd.f32 v8, v3  }
0x11c: {  	v3 =	vadd.f32 v10, v3;
	v41 =	vunpack.i.l.bf16.f32 v28;
	v42 =	vunpack.i.l.bf16.f32 v13  }
0x11d: {  	v58 =	vunpack.i.l.bf16.f32 v4;
	v28 =	vunpack.i.u.bf16.f32 v28;
	v4 =	vunpack.i.u.bf16.f32 v4  }
0x11e: {  	v43 =	vunpack.i.l.bf16.f32 v26;
	v29 =	vmul.f32 v58, v41;
	v4 =	vmul.f32 v4, v28  }
0x11f: {  	v10 =	vunpack.i.u.bf16.f32 v13;
	v26 =	vunpack.i.u.bf16.f32 v26;
	v59 =	vmul.f32 v43, v42  }
0x120: {  	v15 =	vld.idx.msk [tilespmem:v24+s12+$0x0], $0xffff;
	v10 =	vmul.f32 v26, v10;
	v8 =	vadd.f32 v29, v8;
	v4 =	vadd.f32 v4, v3  }
0x121: {  	v37 =	vunpack.i.l.bf16.f32 v20;
	v40 =	vunpack.i.l.bf16.f32 v16;
	v16 =	vunpack.i.u.bf16.f32 v16;
	v13 =	vld.idx.msk [tilespmem:v14+s12+$0x0], $0xffff  }
0x122: {  	v60 =	vmul.f32 v39, v38;
	v14 =	vld.idx.msk [tilespmem:v14+s13+$0x0], $0xffff;
	v8 =	vadd.f32 v59, v8;
	v10 =	vadd.f32 v10, v4  }
0x123: {  	v18 =	vunpack.i.u.bf16.f32 v18;
	v20 =	vunpack.i.u.bf16.f32 v20;
	v61 =	vmul.f32 v40, v35;
	v3 =	vld.idx.msk [tilespmem:v25+s12+$0x0], $0xffff  }
0x124: {  	v4 =	vld.idx.msk [tilespmem:v25+s13+$0x0], $0xffff;
	v26 =	vadd.f32 v60, v8;
	v10 =	vadd.f32 v12, v10;
	v12 =	vmul.f32 v16, v21  }
0x125: {  	v33 =	vunpack.i.l.bf16.f32 v17;
	v34 =	vunpack.i.l.bf16.f32 v23;
	v18 =	vmul.f32 v20, v18;
	v16 =	vld.idx.msk [tilespmem:v24+s13+$0x0], $0xffff  }
0x126: {  	v21 =	vmul.f32 v37, v36;
	v8 =	vld.idx.msk [tilespmem:v22+s12+$0x0], $0xffff;
	v62 =	vadd.f32 v61, v26;
	v12 =	vadd.f32 v12, v10  }
0x127: {  	v63 =	vunpack.i.u.bf16.f32 v17;
	v17 =	vmul.f32 v33, v32;
	v10 =	vld.idx.msk [tilespmem:v22+s13+$0x0], $0xffff;
	v22 =	vunpack.i.u.bf16.f32 v11  }
0x128: {  	v11 =	vld.idx.msk [tilespmem:v27+s12+$0x0], $0xffff;
	v20 =	vadd.f32 v21, v62;
	v18 =	vadd.f32 v18, v12;
	v21 =	vmul.f32 v63, v22  }
0x129: {  	s21 =	simm.s32 $0x6;
	v23 =	vunpack.i.u.bf16.f32 v23;
	v12 =	vld.idx.msk [tilespmem:v27+s13+$0x0], $0xffff;
	v22 =	vunpack.i.u.bf16.f32 v19;
	v19 =	vmul.f32 v34, v31  }
.LBB2_12:
0x12a: {  	p1 =	sne.s32 s21, $0x1;
	v24 =	vld.idx.msk [tilespmem:v9+s12+$0x0], $0xffff;
	v17 =	vadd.f32 v17, v20;
	v18 =	vadd.f32 v21, v18;
	v20 =	vmul.f32 v23, v22  }
0x12b: {  	v5 =	vadd.s32 $0x8, v5;
	v22 =	vmov v15;
	v23 =	vmov v16;
	v21 =	vld.idx.msk [tilespmem:v9+s13+$0x0], $0xffff  }
0x12c: {  	v15 =	vadd.s32 v2, v5;
	v16 =	vld.idx.msk [tilespmem:v7+s12+$0x0], $0xffff;
	v17 =	vadd.f32 v19, v17;
	v18 =	vadd.f32 v20, v18  }
0x12d: {  	v19 =	vor.u32 $0x5, v15;
	v20 =	vor.u32 $0x6, v15;
	v25 =	vor.u32 $0x7, v15;
	v26 =	vld.idx.msk [tilespmem:v7+s13+$0x0], $0xffff  }
0x12e: {  	v9 =	vor.u32 $0x3, v15;
	v27 =	vor.u32 $0x4, v15;
	v7 =	vor.u32 $0x2, v15;
	v28 =	vld.idx.msk [tilespmem:v6+s12+$0x0], $0xffff  }
0x12f: {  	v29 =	vunpack.i.u.bf16.f32 v13;
	v13 =	vunpack.i.l.bf16.f32 v13;
	v30 =	vld.idx.msk [tilespmem:v6+s13+$0x0], $0xffff;
	v6 =	vor.u32 $0x1, v15  }
0x130: {  	v31 =	vunpack.i.u.bf16.f32 v14;
	v14 =	vunpack.i.l.bf16.f32 v14;
	v32 =	vunpack.i.l.bf16.f32 v3  }
0x131: {  	v35 =	vunpack.i.l.bf16.f32 v4;
	v33 =	vunpack.i.l.bf16.f32 v22;
	v34 =	vunpack.i.l.bf16.f32 v23  }
0x132: {  	v37 =	vunpack.i.l.bf16.f32 v8;
	v38 =	vunpack.i.l.bf16.f32 v10;
	v36 =	vunpack.i.l.bf16.f32 v11  }
0x133: {  	v41 =	vunpack.i.l.bf16.f32 v12;
	v39 =	vunpack.i.l.bf16.f32 v24;
	v40 =	vunpack.i.l.bf16.f32 v21  }
0x134: {  	v43 =	vunpack.i.l.bf16.f32 v16;
	v44 =	vunpack.i.l.bf16.f32 v26;
	v42 =	vunpack.i.l.bf16.f32 v28  }
0x135: {  	v13 =	vmul.f32 v14, v13;
	v14 =	vmul.f32 v31, v29;
	v29 =	vunpack.i.l.bf16.f32 v30  }
0x136: {  	v28 =	vunpack.i.u.bf16.f32 v28;
	v30 =	vunpack.i.u.bf16.f32 v30;
	v29 =	vmul.f32 v29, v42  }
0x137: {  	v17 =	vadd.f32 v13, v17;
	v14 =	vadd.f32 v14, v18;
	v18 =	vmul.f32 v30, v28  }
0x138: {  	v16 =	vunpack.i.u.bf16.f32 v16;
	v26 =	vunpack.i.u.bf16.f32 v26;
	v28 =	vmul.f32 v44, v43  }
0x139: {  	v16 =	vmul.f32 v26, v16;
	v17 =	vadd.f32 v29, v17;
	v18 =	vadd.f32 v18, v14;
	v13 =	vld.idx.msk [tilespmem:v15+s12+$0x0], $0xffff  }
0x13a: {  	v21 =	vunpack.i.u.bf16.f32 v21;
	v14 =	vld.idx.msk [tilespmem:v15+s13+$0x0], $0xffff;
	v15 =	vunpack.i.u.bf16.f32 v24;
	v24 =	vmul.f32 v40, v39  }
0x13b: {  	v17 =	vadd.f32 v28, v17;
	v16 =	vadd.f32 v16, v18;
	v26 =	vld.idx.msk [tilespmem:v25+s12+$0x0], $0xffff;
	v18 =	vmul.f32 v21, v15  }
0x13c: {  	v11 =	vunpack.i.u.bf16.f32 v11;
	v12 =	vunpack.i.u.bf16.f32 v12;
	v21 =	vmul.f32 v41, v36;
	v25 =	vld.idx.msk [tilespmem:v25+s13+$0x0], $0xffff  }
0x13d: {  	v11 =	vmul.f32 v12, v11;
	v17 =	vadd.f32 v24, v17;
	v15 =	vld.idx.msk [tilespmem:v20+s12+$0x0], $0xffff;
	v18 =	vadd.f32 v18, v16  }
.Ltmp4:
0x13e: {  	v10 =	vunpack.i.u.bf16.f32 v10;
	v12 =	vunpack.i.u.bf16.f32 v8;
	v16 =	vld.idx.msk [tilespmem:v20+s13+$0x0], $0xffff;
	v20 =	vmul.f32 v38, v37;
	(pc) =	sbr.rel @p1 .LBB2_12-.Ltmp4, $4  }
0x13f: {  	v12 =	vmul.f32 v10, v12;
	v21 =	vadd.f32 v21, v17;
	v8 =	vld.idx.msk [tilespmem:v19+s12+$0x0], $0xffff;
	v18 =	vadd.f32 v11, v18  }
0x140: {  	v17 =	vmul.f32 v34, v33;
	v10 =	vld.idx.msk [tilespmem:v19+s13+$0x0], $0xffff;
	v19 =	vunpack.i.u.bf16.f32 v22;
	v22 =	vunpack.i.u.bf16.f32 v23  }
0x141: {  	v20 =	vadd.f32 v20, v21;
	v11 =	vld.idx.msk [tilespmem:v27+s12+$0x0], $0xffff;
	v18 =	vadd.f32 v12, v18;
	v21 =	vmul.f32 v22, v19  }
0x142: {  	s21 =	sadd.s32 $0xFFFFFFFF, s21;
	v23 =	vunpack.i.u.bf16.f32 v4;
	v22 =	vunpack.i.u.bf16.f32 v3;
	v19 =	vmul.f32 v35, v32;
	v3 =	vmovc v26;
	v4 =	vmovc v25;
	v12 =	vld.idx.msk [tilespmem:v27+s13+$0x0], $0xffff  }
0x143: {  	_ =	sdelay $0x3  }
0x144: {  	v2 =	vld.idx.msk [tilespmem:v9+s12+$0x0], $0xffff;
	v5 =	vadd.f32 v17, v20  }
0x145: {  	v58 =	vld.idx.msk [tilespmem:v9+s13+$0x0], $0xffff;
	v59 =	vadd.f32 v21, v18;
	v60 =	vmul.f32 v23, v22;
	v36 =	vunpack.i.u.bf16.f32 v13  }
0x146: {  	v61 =	vld.idx.msk [tilespmem:v7+s12+$0x0], $0xffff;
	v37 =	vunpack.i.l.bf16.f32 v13;
	v39 =	vunpack.i.u.bf16.f32 v14;
	v40 =	vunpack.i.l.bf16.f32 v14  }
0x147: {  	v63 =	vld.idx.msk [tilespmem:v6+s12+$0x0], $0xffff;
	v41 =	vunpack.i.l.bf16.f32 v3;
	v42 =	vunpack.i.l.bf16.f32 v15;
	v24 =	vunpack.i.l.bf16.f32 v16  }
0x148: {  	v38 =	vld.idx.msk [tilespmem:v6+s13+$0x0], $0xffff;
	v25 =	vunpack.i.l.bf16.f32 v4;
	v27 =	vunpack.i.l.bf16.f32 v8;
	v13 =	vmul.f32 v40, v37  }
0x149: {  	v62 =	vld.idx.msk [tilespmem:v7+s13+$0x0], $0xffff;
	v43 =	vmul.f32 v39, v36;
	v5 =	vadd.f32 v19, v5;
	v17 =	vadd.f32 v60, v59  }
0x14a: {  	v28 =	vunpack.i.l.bf16.f32 v10;
	v26 =	vunpack.i.l.bf16.f32 v11;
	v31 =	vunpack.i.l.bf16.f32 v12  }
0x14b: {  	v5 =	vadd.f32 v13, v5;
	v45 =	vadd.f32 v43, v17;
	v29 =	vunpack.i.l.bf16.f32 v2  }
0x14c: {  	v30 =	vunpack.i.l.bf16.f32 v58;
	v32 =	vunpack.i.l.bf16.f32 v63;
	v33 =	vunpack.i.l.bf16.f32 v61  }
0x14d: {  	v44 =	vunpack.i.l.bf16.f32 v38;
	v18 =	vunpack.i.u.bf16.f32 v63;
	v6 =	vunpack.i.u.bf16.f32 v38  }
0x14e: {  	v34 =	vunpack.i.l.bf16.f32 v62;
	v19 =	vmul.f32 v44, v32;
	v6 =	vmul.f32 v6, v18  }
0x14f: {  	v46 =	vunpack.i.u.bf16.f32 v61;
	v7 =	vunpack.i.u.bf16.f32 v62;
	v47 =	vmul.f32 v34, v33  }
0x150: {  	v7 =	vmul.f32 v7, v46;
	v5 =	vadd.f32 v19, v5;
	v6 =	vadd.f32 v6, v45  }
0x151: {  	v2 =	vunpack.i.u.bf16.f32 v2;
	v9 =	vunpack.i.u.bf16.f32 v58;
	v48 =	vmul.f32 v30, v29  }
0x152: {  	v2 =	vmul.f32 v9, v2;
	v5 =	vadd.f32 v47, v5;
	v6 =	vadd.f32 v7, v6  }
0x153: {  	v49 =	vunpack.i.u.bf16.f32 v11;
	v50 =	vunpack.i.u.bf16.f32 v12;
	v51 =	vmul.f32 v31, v26  }
0x154: {  	v52 =	vmul.f32 v50, v49;
	v5 =	vadd.f32 v48, v5;
	v2 =	vadd.f32 v2, v6  }
0x155: {  	v53 =	vunpack.i.u.bf16.f32 v8;
	v54 =	vunpack.i.u.bf16.f32 v10;
	v55 =	vmul.f32 v28, v27  }
0x156: {  	v56 =	vmul.f32 v54, v53;
	v5 =	vadd.f32 v51, v5;
	v2 =	vadd.f32 v52, v2  }
0x157: {  	v57 =	vunpack.i.u.bf16.f32 v15;
	v59 =	vmul.f32 v24, v42;
	v58 =	vunpack.i.u.bf16.f32 v16  }
0x158: {  	v60 =	vmul.f32 v58, v57;
	v5 =	vadd.f32 v55, v5;
	v2 =	vadd.f32 v56, v2  }
0x159: {  	v3 =	vunpack.i.u.bf16.f32 v3;
	v61 =	vunpack.i.u.bf16.f32 v4;
	v62 =	vmul.f32 v25, v41  }
0x15a: {  	s19 =	sadd.s32 $0x1, s19;
	v3 =	vmul.f32 v61, v3;
	v5 =	vadd.f32 v59, v5;
	v2 =	vadd.f32 v60, v2  }
0x15b: {  	p1 =	sne.s32 s19, $0x5  }
.Ltmp5:
0x15c: {  	v63 =	vadd.f32 v62, v5;
	v2 =	vadd.f32 v3, v2;
	(pc) =	sbr.rel @p1 .LBB2_11-.Ltmp5, $3  }
0x15d: {  	_ = 	snop  }
0x15e: {  	v2 =	vadd.f32 v2, v63;
	_ =	sdelay $0x1  }
0x15f: {  	[tilespmem:v1+s20+$0x0 ss:$0x1] =	vst.idx.msk $0xffff, v2  }
0x160: {  	s19 =	sadd.s32 @!p0 $0x1E0, s17;
	s20 =	simm.s32 @!p0 $0x50;
	s21 =	simm.s32 @!p0 $0x9D30  }
0x161: {  	[tilespmem:s21], [sflag:$0x3] =	stream.indirect.gather @!p0 [hbm4b:s3+s20], $0x40, s19, s20, $0xb8;
	[tilespmem:$0x11530] =	vst v63  }
0x162: {  	s19 =	sadd.s32 @!p0 $0x28F0, s17;
	s21 =	simm.s32 @!p0 $0xED30  }
0x163: {  	[tilespmem:s21], [sflag:$0x7] =	stream.indirect.gather @!p0 [hbm4b:s4+s20], $0x40, s19, s20, $0xb8;
	[tilespmem:$0x11530] =	vst v63  }
0x164: {  	_ =	swait.ge [sflag:s0], $0x1400  }
0x165: {  	[sflag:s0] =	ssyncset.done $0x0  }
0x166: {  	[sflag:s0] =	ssyncadd.s32 $0xFFFFEC00  }
0x167: {  	_ =	swait.ge [sflag:s1], $0x1400  }
0x168: {  	s21 =	sadd.s32 $0x4F10, s18;
	[sflag:s1] =	ssyncset.done $0x0  }
0x169: {  	s18 =	simm.s32 $0x0;
	v1 =	vmov s21;
	[sflag:s1] =	ssyncadd.s32 $0xFFFFEC00  }
.LBB2_15:
0x16a: {  	s19 =	sshll.u32 s18, $0x4  }
0x16b: {  	s20 =	sadd.s32 $0xF0, s19  }
0x16c: {  	v2 =	vmov s20  }
0x16d: {  	v2 =	vshll.u32 v2, $0x6  }
0x16e: {  	v3 =	vimm.s32 $0x0;
	v2 =	vor.u32 v0, v2  }
0x16f: {  	v4 =	vadd.s32 v2, v3;
	_ =	sdelay $0x1  }
0x170: {  	v5 =	vor.u32 $0x7, v4;
	_ =	sdelay $0x1  }
0x171: {  	v6 =	vor.u32 $0x6, v4  }
0x172: {  	v8 =	vld.idx.msk [tilespmem:v4+s12+$0x0], $0xffff  }
0x173: {  	v7 =	vor.u32 $0x5, v4;
	v10 =	vld.idx.msk [tilespmem:v4+s13+$0x0], $0xffff  }
0x174: {  	v19 =	vld.idx.msk [tilespmem:v5+s12+$0x0], $0xffff  }
0x175: {  	v9 =	vor.u32 $0x4, v4;
	v23 =	vld.idx.msk [tilespmem:v5+s13+$0x0], $0xffff  }
0x176: {  	v11 =	vld.idx.msk [tilespmem:v6+s12+$0x0], $0xffff  }
0x177: {  	v12 =	vor.u32 $0x3, v4;
	v17 =	vld.idx.msk [tilespmem:v6+s13+$0x0], $0xffff  }
0x178: {  	v18 =	vld.idx.msk [tilespmem:v7+s12+$0x0], $0xffff  }
0x179: {  	v6 =	vor.u32 $0x2, v4;
	v20 =	vld.idx.msk [tilespmem:v7+s13+$0x0], $0xffff  }
0x17a: {  	v15 =	vld.idx.msk [tilespmem:v9+s12+$0x0], $0xffff  }
0x17b: {  	v4 =	vor.u32 $0x1, v4;
	v16 =	vld.idx.msk [tilespmem:v9+s13+$0x0], $0xffff;
	v5 =	vadd.s32 $0x8, v3  }
0x17c: {  	v21 =	vld.idx.msk [tilespmem:v12+s12+$0x0], $0xffff;
	v3 =	vimm.f32 $0.0e+00;
	v14 =	vadd.s32 v2, v5  }
0x17d: {  	v12 =	vld.idx.msk [tilespmem:v12+s13+$0x0], $0xffff;
	v22 =	vor.u32 $0x5, v14;
	v24 =	vor.u32 $0x6, v14;
	v25 =	vor.u32 $0x7, v14  }
0x17e: {  	v7 =	vor.u32 $0x2, v14;
	v9 =	vor.u32 $0x3, v14;
	v27 =	vor.u32 $0x4, v14;
	v13 =	vld.idx.msk [tilespmem:v6+s12+$0x0], $0xffff  }
0x17f: {  	v29 =	vunpack.i.u.bf16.f32 v8;
	v8 =	vunpack.i.l.bf16.f32 v8;
	v30 =	vunpack.i.u.bf16.f32 v10;
	v26 =	vld.idx.msk [tilespmem:v6+s13+$0x0], $0xffff  }
0x180: {  	v10 =	vunpack.i.l.bf16.f32 v10;
	v28 =	vld.idx.msk [tilespmem:v4+s12+$0x0], $0xffff;
	v6 =	vor.u32 $0x1, v14;
	v31 =	vunpack.i.l.bf16.f32 v19  }
0x181: {  	v4 =	vld.idx.msk [tilespmem:v4+s13+$0x0], $0xffff;
	v32 =	vunpack.i.l.bf16.f32 v11;
	v35 =	vunpack.i.l.bf16.f32 v15;
	v36 =	vunpack.i.l.bf16.f32 v18  }
0x182: {  	v38 =	vunpack.i.l.bf16.f32 v21;
	v39 =	vunpack.i.l.bf16.f32 v12;
	v8 =	vmul.f32 v10, v8  }
0x183: {  	v10 =	vmul.f32 v30, v29;
	v21 =	vunpack.i.u.bf16.f32 v21;
	v12 =	vunpack.i.u.bf16.f32 v12  }
0x184: {  	v12 =	vmul.f32 v12, v21;
	v21 =	vunpack.i.u.bf16.f32 v15;
	v8 =	vadd.f32 v8, v3  }
0x185: {  	v3 =	vadd.f32 v10, v3;
	v41 =	vunpack.i.l.bf16.f32 v28;
	v42 =	vunpack.i.l.bf16.f32 v13  }
0x186: {  	v58 =	vunpack.i.l.bf16.f32 v4;
	v28 =	vunpack.i.u.bf16.f32 v28;
	v4 =	vunpack.i.u.bf16.f32 v4  }
0x187: {  	v43 =	vunpack.i.l.bf16.f32 v26;
	v29 =	vmul.f32 v58, v41;
	v4 =	vmul.f32 v4, v28  }
0x188: {  	v10 =	vunpack.i.u.bf16.f32 v13;
	v26 =	vunpack.i.u.bf16.f32 v26;
	v59 =	vmul.f32 v43, v42  }
0x189: {  	v15 =	vld.idx.msk [tilespmem:v24+s12+$0x0], $0xffff;
	v10 =	vmul.f32 v26, v10;
	v8 =	vadd.f32 v29, v8;
	v4 =	vadd.f32 v4, v3  }
0x18a: {  	v37 =	vunpack.i.l.bf16.f32 v20;
	v40 =	vunpack.i.l.bf16.f32 v16;
	v16 =	vunpack.i.u.bf16.f32 v16;
	v13 =	vld.idx.msk [tilespmem:v14+s12+$0x0], $0xffff  }
0x18b: {  	v60 =	vmul.f32 v39, v38;
	v14 =	vld.idx.msk [tilespmem:v14+s13+$0x0], $0xffff;
	v8 =	vadd.f32 v59, v8;
	v10 =	vadd.f32 v10, v4  }
0x18c: {  	v18 =	vunpack.i.u.bf16.f32 v18;
	v20 =	vunpack.i.u.bf16.f32 v20;
	v61 =	vmul.f32 v40, v35;
	v3 =	vld.idx.msk [tilespmem:v25+s12+$0x0], $0xffff  }
0x18d: {  	v4 =	vld.idx.msk [tilespmem:v25+s13+$0x0], $0xffff;
	v26 =	vadd.f32 v60, v8;
	v10 =	vadd.f32 v12, v10;
	v12 =	vmul.f32 v16, v21  }
0x18e: {  	v33 =	vunpack.i.l.bf16.f32 v17;
	v34 =	vunpack.i.l.bf16.f32 v23;
	v18 =	vmul.f32 v20, v18;
	v16 =	vld.idx.msk [tilespmem:v24+s13+$0x0], $0xffff  }
0x18f: {  	v21 =	vmul.f32 v37, v36;
	v8 =	vld.idx.msk [tilespmem:v22+s12+$0x0], $0xffff;
	v62 =	vadd.f32 v61, v26;
	v12 =	vadd.f32 v12, v10  }
0x190: {  	v63 =	vunpack.i.u.bf16.f32 v17;
	v17 =	vmul.f32 v33, v32;
	v10 =	vld.idx.msk [tilespmem:v22+s13+$0x0], $0xffff;
	v22 =	vunpack.i.u.bf16.f32 v11  }
0x191: {  	v11 =	vld.idx.msk [tilespmem:v27+s12+$0x0], $0xffff;
	v20 =	vadd.f32 v21, v62;
	v18 =	vadd.f32 v18, v12;
	v21 =	vmul.f32 v63, v22  }
0x192: {  	s20 =	simm.s32 $0x6;
	v23 =	vunpack.i.u.bf16.f32 v23;
	v12 =	vld.idx.msk [tilespmem:v27+s13+$0x0], $0xffff;
	v22 =	vunpack.i.u.bf16.f32 v19;
	v19 =	vmul.f32 v34, v31  }
.LBB2_16:
0x193: {  	p1 =	sne.s32 s20, $0x1;
	v24 =	vld.idx.msk [tilespmem:v9+s12+$0x0], $0xffff;
	v17 =	vadd.f32 v17, v20;
	v18 =	vadd.f32 v21, v18;
	v20 =	vmul.f32 v23, v22  }
0x194: {  	v5 =	vadd.s32 $0x8, v5;
	v22 =	vmov v15;
	v23 =	vmov v16;
	v21 =	vld.idx.msk [tilespmem:v9+s13+$0x0], $0xffff  }
0x195: {  	v15 =	vadd.s32 v2, v5;
	v16 =	vld.idx.msk [tilespmem:v7+s12+$0x0], $0xffff;
	v17 =	vadd.f32 v19, v17;
	v18 =	vadd.f32 v20, v18  }
0x196: {  	v19 =	vor.u32 $0x5, v15;
	v20 =	vor.u32 $0x6, v15;
	v25 =	vor.u32 $0x7, v15;
	v26 =	vld.idx.msk [tilespmem:v7+s13+$0x0], $0xffff  }
0x197: {  	v9 =	vor.u32 $0x3, v15;
	v27 =	vor.u32 $0x4, v15;
	v7 =	vor.u32 $0x2, v15;
	v28 =	vld.idx.msk [tilespmem:v6+s12+$0x0], $0xffff  }
0x198: {  	v29 =	vunpack.i.u.bf16.f32 v13;
	v13 =	vunpack.i.l.bf16.f32 v13;
	v30 =	vld.idx.msk [tilespmem:v6+s13+$0x0], $0xffff;
	v6 =	vor.u32 $0x1, v15  }
0x199: {  	v31 =	vunpack.i.u.bf16.f32 v14;
	v14 =	vunpack.i.l.bf16.f32 v14;
	v32 =	vunpack.i.l.bf16.f32 v3  }
0x19a: {  	v35 =	vunpack.i.l.bf16.f32 v4;
	v33 =	vunpack.i.l.bf16.f32 v22;
	v34 =	vunpack.i.l.bf16.f32 v23  }
0x19b: {  	v37 =	vunpack.i.l.bf16.f32 v8;
	v38 =	vunpack.i.l.bf16.f32 v10;
	v36 =	vunpack.i.l.bf16.f32 v11  }
0x19c: {  	v41 =	vunpack.i.l.bf16.f32 v12;
	v39 =	vunpack.i.l.bf16.f32 v24;
	v40 =	vunpack.i.l.bf16.f32 v21  }
0x19d: {  	v43 =	vunpack.i.l.bf16.f32 v16;
	v44 =	vunpack.i.l.bf16.f32 v26;
	v42 =	vunpack.i.l.bf16.f32 v28  }
0x19e: {  	v13 =	vmul.f32 v14, v13;
	v14 =	vmul.f32 v31, v29;
	v29 =	vunpack.i.l.bf16.f32 v30  }
0x19f: {  	v28 =	vunpack.i.u.bf16.f32 v28;
	v30 =	vunpack.i.u.bf16.f32 v30;
	v29 =	vmul.f32 v29, v42  }
0x1a0: {  	v17 =	vadd.f32 v13, v17;
	v14 =	vadd.f32 v14, v18;
	v18 =	vmul.f32 v30, v28  }
0x1a1: {  	v16 =	vunpack.i.u.bf16.f32 v16;
	v26 =	vunpack.i.u.bf16.f32 v26;
	v28 =	vmul.f32 v44, v43  }
0x1a2: {  	v16 =	vmul.f32 v26, v16;
	v17 =	vadd.f32 v29, v17;
	v18 =	vadd.f32 v18, v14;
	v13 =	vld.idx.msk [tilespmem:v15+s12+$0x0], $0xffff  }
0x1a3: {  	v21 =	vunpack.i.u.bf16.f32 v21;
	v14 =	vld.idx.msk [tilespmem:v15+s13+$0x0], $0xffff;
	v15 =	vunpack.i.u.bf16.f32 v24;
	v24 =	vmul.f32 v40, v39  }
0x1a4: {  	v17 =	vadd.f32 v28, v17;
	v16 =	vadd.f32 v16, v18;
	v26 =	vld.idx.msk [tilespmem:v25+s12+$0x0], $0xffff;
	v18 =	vmul.f32 v21, v15  }
0x1a5: {  	v11 =	vunpack.i.u.bf16.f32 v11;
	v12 =	vunpack.i.u.bf16.f32 v12;
	v21 =	vmul.f32 v41, v36;
	v25 =	vld.idx.msk [tilespmem:v25+s13+$0x0], $0xffff  }
0x1a6: {  	v11 =	vmul.f32 v12, v11;
	v17 =	vadd.f32 v24, v17;
	v15 =	vld.idx.msk [tilespmem:v20+s12+$0x0], $0xffff;
	v18 =	vadd.f32 v18, v16  }
.Ltmp6:
0x1a7: {  	v10 =	vunpack.i.u.bf16.f32 v10;
	v12 =	vunpack.i.u.bf16.f32 v8;
	v16 =	vld.idx.msk [tilespmem:v20+s13+$0x0], $0xffff;
	v20 =	vmul.f32 v38, v37;
	(pc) =	sbr.rel @p1 .LBB2_16-.Ltmp6, $4  }
0x1a8: {  	v12 =	vmul.f32 v10, v12;
	v21 =	vadd.f32 v21, v17;
	v8 =	vld.idx.msk [tilespmem:v19+s12+$0x0], $0xffff;
	v18 =	vadd.f32 v11, v18  }
0x1a9: {  	v17 =	vmul.f32 v34, v33;
	v10 =	vld.idx.msk [tilespmem:v19+s13+$0x0], $0xffff;
	v19 =	vunpack.i.u.bf16.f32 v22;
	v22 =	vunpack.i.u.bf16.f32 v23  }
0x1aa: {  	v20 =	vadd.f32 v20, v21;
	v11 =	vld.idx.msk [tilespmem:v27+s12+$0x0], $0xffff;
	v18 =	vadd.f32 v12, v18;
	v21 =	vmul.f32 v22, v19  }
0x1ab: {  	s20 =	sadd.s32 $0xFFFFFFFF, s20;
	v23 =	vunpack.i.u.bf16.f32 v4;
	v22 =	vunpack.i.u.bf16.f32 v3;
	v19 =	vmul.f32 v35, v32;
	v3 =	vmovc v26;
	v4 =	vmovc v25;
	v12 =	vld.idx.msk [tilespmem:v27+s13+$0x0], $0xffff  }
0x1ac: {  	_ =	sdelay $0x3  }
0x1ad: {  	v2 =	vld.idx.msk [tilespmem:v9+s12+$0x0], $0xffff;
	v5 =	vadd.f32 v17, v20  }
0x1ae: {  	v58 =	vld.idx.msk [tilespmem:v9+s13+$0x0], $0xffff;
	v59 =	vadd.f32 v21, v18;
	v60 =	vmul.f32 v23, v22;
	v36 =	vunpack.i.u.bf16.f32 v13  }
0x1af: {  	v61 =	vld.idx.msk [tilespmem:v7+s12+$0x0], $0xffff;
	v37 =	vunpack.i.l.bf16.f32 v13;
	v39 =	vunpack.i.u.bf16.f32 v14;
	v40 =	vunpack.i.l.bf16.f32 v14  }
0x1b0: {  	v63 =	vld.idx.msk [tilespmem:v6+s12+$0x0], $0xffff;
	v41 =	vunpack.i.l.bf16.f32 v3;
	v42 =	vunpack.i.l.bf16.f32 v15;
	v24 =	vunpack.i.l.bf16.f32 v16  }
0x1b1: {  	v38 =	vld.idx.msk [tilespmem:v6+s13+$0x0], $0xffff;
	v25 =	vunpack.i.l.bf16.f32 v4;
	v27 =	vunpack.i.l.bf16.f32 v8;
	v13 =	vmul.f32 v40, v37  }
0x1b2: {  	v62 =	vld.idx.msk [tilespmem:v7+s13+$0x0], $0xffff;
	v43 =	vmul.f32 v39, v36;
	v5 =	vadd.f32 v19, v5;
	v17 =	vadd.f32 v60, v59  }
0x1b3: {  	v28 =	vunpack.i.l.bf16.f32 v10;
	v26 =	vunpack.i.l.bf16.f32 v11;
	v31 =	vunpack.i.l.bf16.f32 v12  }
0x1b4: {  	v5 =	vadd.f32 v13, v5;
	v45 =	vadd.f32 v43, v17;
	v29 =	vunpack.i.l.bf16.f32 v2  }
0x1b5: {  	v30 =	vunpack.i.l.bf16.f32 v58;
	v32 =	vunpack.i.l.bf16.f32 v63;
	v33 =	vunpack.i.l.bf16.f32 v61  }
0x1b6: {  	v44 =	vunpack.i.l.bf16.f32 v38;
	v18 =	vunpack.i.u.bf16.f32 v63;
	v6 =	vunpack.i.u.bf16.f32 v38  }
0x1b7: {  	v34 =	vunpack.i.l.bf16.f32 v62;
	v19 =	vmul.f32 v44, v32;
	v6 =	vmul.f32 v6, v18  }
0x1b8: {  	v46 =	vunpack.i.u.bf16.f32 v61;
	v7 =	vunpack.i.u.bf16.f32 v62;
	v47 =	vmul.f32 v34, v33  }
0x1b9: {  	v7 =	vmul.f32 v7, v46;
	v5 =	vadd.f32 v19, v5;
	v6 =	vadd.f32 v6, v45  }
0x1ba: {  	v2 =	vunpack.i.u.bf16.f32 v2;
	v9 =	vunpack.i.u.bf16.f32 v58;
	v48 =	vmul.f32 v30, v29  }
0x1bb: {  	v2 =	vmul.f32 v9, v2;
	v5 =	vadd.f32 v47, v5;
	v6 =	vadd.f32 v7, v6  }
0x1bc: {  	v49 =	vunpack.i.u.bf16.f32 v11;
	v50 =	vunpack.i.u.bf16.f32 v12;
	v51 =	vmul.f32 v31, v26  }
0x1bd: {  	v52 =	vmul.f32 v50, v49;
	v5 =	vadd.f32 v48, v5;
	v2 =	vadd.f32 v2, v6  }
0x1be: {  	v53 =	vunpack.i.u.bf16.f32 v8;
	v54 =	vunpack.i.u.bf16.f32 v10;
	v55 =	vmul.f32 v28, v27  }
0x1bf: {  	v56 =	vmul.f32 v54, v53;
	v5 =	vadd.f32 v51, v5;
	v2 =	vadd.f32 v52, v2  }
0x1c0: {  	v57 =	vunpack.i.u.bf16.f32 v15;
	v59 =	vmul.f32 v24, v42;
	v58 =	vunpack.i.u.bf16.f32 v16  }
0x1c1: {  	v60 =	vmul.f32 v58, v57;
	v5 =	vadd.f32 v55, v5;
	v2 =	vadd.f32 v56, v2  }
0x1c2: {  	v3 =	vunpack.i.u.bf16.f32 v3;
	v61 =	vunpack.i.u.bf16.f32 v4;
	v62 =	vmul.f32 v25, v41  }
0x1c3: {  	s18 =	sadd.s32 $0x1, s18;
	v3 =	vmul.f32 v61, v3;
	v5 =	vadd.f32 v59, v5;
	v2 =	vadd.f32 v60, v2  }
0x1c4: {  	p1 =	sne.s32 s18, $0x5  }
.Ltmp7:
0x1c5: {  	v63 =	vadd.f32 v62, v5;
	v2 =	vadd.f32 v3, v2;
	(pc) =	sbr.rel @p1 .LBB2_15-.Ltmp7, $3  }
0x1c6: {  	_ = 	snop  }
0x1c7: {  	v2 =	vadd.f32 v2, v63;
	_ =	sdelay $0x1  }
0x1c8: {  	[tilespmem:v1+s19+$0x0 ss:$0x1] =	vst.idx.msk $0xffff, v2  }
.Ltmp8:
0x1c9: {  	(pc) =	sbr.rel @p0 .LBB2_20-.Ltmp8, $1  }
0x1ca: {  	_ =	sdelay $0x3  }
.Ltmp9:
0x1cb: {  	(pc) =	sbr.rel .LBB2_2-.Ltmp9, $4  }
0x1cc: {  	s18 =	sadd.s32 $0x230, s17  }
0x1cd: {  	[tilespmem:s22], [sflag:$0x4] =	stream.indirect.gather [hbm4b:s3+s11], $0x40, s18, s11, $0xb8;
	[tilespmem:$0x11530] =	vst v63  }
0x1ce: {  	s21 =	sadd.s32 $0x2940, s17;
	s16 =	sadd.s32 $0x1, s16  }
0x1cf: {  	[tilespmem:s24], [sflag:$0x8] =	stream.indirect.gather [hbm4b:s4+s11], $0x40, s21, s11, $0xb8;
	[tilespmem:$0x11530] =	vst v63  }
.LBB2_20:
0x1d0: {  	_ =	swait.ge [sflag:s25], $0x1400  }
0x1d1: {  	[sflag:s25] =	ssyncset.done $0x0  }
0x1d2: {  	[sflag:s25] =	ssyncadd.s32 $0xFFFFEC00  }
0x1d3: {  	_ =	swait.ge [sflag:s26], $0x1400  }
0x1d4: {  	[sflag:s26] =	ssyncset.done $0x0  }
0x1d5: {  	s16 =	simm.s32 $0x0;
	[sflag:s26] =	ssyncadd.s32 $0xFFFFEC00  }
.LBB2_21:
0x1d6: {  	s17 =	sshll.u32 s16, $0x4  }
0x1d7: {  	v1 =	vmov s17  }
0x1d8: {  	v1 =	vshll.u32 v1, $0x6  }
0x1d9: {  	v2 =	vimm.s32 $0x0;
	v1 =	vor.u32 v0, v1  }
0x1da: {  	v3 =	vadd.s32 v1, v2;
	_ =	sdelay $0x1  }
0x1db: {  	v4 =	vor.u32 $0x7, v3;
	_ =	sdelay $0x1  }
0x1dc: {  	v5 =	vor.u32 $0x6, v3  }
0x1dd: {  	v7 =	vld.idx.msk [tilespmem:v3+s12+$0x0], $0xffff  }
0x1de: {  	v6 =	vor.u32 $0x5, v3;
	v9 =	vld.idx.msk [tilespmem:v3+s13+$0x0], $0xffff  }
0x1df: {  	v18 =	vld.idx.msk [tilespmem:v4+s12+$0x0], $0xffff  }
0x1e0: {  	v8 =	vor.u32 $0x4, v3;
	v22 =	vld.idx.msk [tilespmem:v4+s13+$0x0], $0xffff  }
0x1e1: {  	v10 =	vld.idx.msk [tilespmem:v5+s12+$0x0], $0xffff  }
0x1e2: {  	v11 =	vor.u32 $0x3, v3;
	v16 =	vld.idx.msk [tilespmem:v5+s13+$0x0], $0xffff  }
0x1e3: {  	v17 =	vld.idx.msk [tilespmem:v6+s12+$0x0], $0xffff  }
0x1e4: {  	v5 =	vor.u32 $0x2, v3;
	v19 =	vld.idx.msk [tilespmem:v6+s13+$0x0], $0xffff  }
0x1e5: {  	v14 =	vld.idx.msk [tilespmem:v8+s12+$0x0], $0xffff  }
0x1e6: {  	v3 =	vor.u32 $0x1, v3;
	v15 =	vld.idx.msk [tilespmem:v8+s13+$0x0], $0xffff;
	v4 =	vadd.s32 $0x8, v2  }
0x1e7: {  	v20 =	vld.idx.msk [tilespmem:v11+s12+$0x0], $0xffff;
	v2 =	vimm.f32 $0.0e+00;
	v13 =	vadd.s32 v1, v4  }
0x1e8: {  	v11 =	vld.idx.msk [tilespmem:v11+s13+$0x0], $0xffff;
	v21 =	vor.u32 $0x5, v13;
	v23 =	vor.u32 $0x6, v13;
	v24 =	vor.u32 $0x7, v13  }
0x1e9: {  	v6 =	vor.u32 $0x2, v13;
	v8 =	vor.u32 $0x3, v13;
	v26 =	vor.u32 $0x4, v13;
	v12 =	vld.idx.msk [tilespmem:v5+s12+$0x0], $0xffff  }
0x1ea: {  	v28 =	vunpack.i.u.bf16.f32 v7;
	v7 =	vunpack.i.l.bf16.f32 v7;
	v29 =	vunpack.i.u.bf16.f32 v9;
	v25 =	vld.idx.msk [tilespmem:v5+s13+$0x0], $0xffff  }
0x1eb: {  	v9 =	vunpack.i.l.bf16.f32 v9;
	v27 =	vld.idx.msk [tilespmem:v3+s12+$0x0], $0xffff;
	v5 =	vor.u32 $0x1, v13;
	v30 =	vunpack.i.l.bf16.f32 v18  }
0x1ec: {  	v3 =	vld.idx.msk [tilespmem:v3+s13+$0x0], $0xffff;
	v31 =	vunpack.i.l.bf16.f32 v10;
	v34 =	vunpack.i.l.bf16.f32 v14;
	v35 =	vunpack.i.l.bf16.f32 v17  }
0x1ed: {  	v37 =	vunpack.i.l.bf16.f32 v20;
	v38 =	vunpack.i.l.bf16.f32 v11;
	v7 =	vmul.f32 v9, v7  }
0x1ee: {  	v9 =	vmul.f32 v29, v28;
	v20 =	vunpack.i.u.bf16.f32 v20;
	v11 =	vunpack.i.u.bf16.f32 v11  }
0x1ef: {  	v11 =	vmul.f32 v11, v20;
	v20 =	vunpack.i.u.bf16.f32 v14;
	v7 =	vadd.f32 v7, v2  }
0x1f0: {  	v2 =	vadd.f32 v9, v2;
	v40 =	vunpack.i.l.bf16.f32 v27;
	v41 =	vunpack.i.l.bf16.f32 v12  }
0x1f1: {  	v59 =	vunpack.i.l.bf16.f32 v3;
	v27 =	vunpack.i.u.bf16.f32 v27;
	v3 =	vunpack.i.u.bf16.f32 v3  }
0x1f2: {  	v42 =	vunpack.i.l.bf16.f32 v25;
	v28 =	vmul.f32 v59, v40;
	v3 =	vmul.f32 v3, v27  }
0x1f3: {  	v9 =	vunpack.i.u.bf16.f32 v12;
	v25 =	vunpack.i.u.bf16.f32 v25;
	v60 =	vmul.f32 v42, v41  }
0x1f4: {  	v14 =	vld.idx.msk [tilespmem:v23+s12+$0x0], $0xffff;
	v9 =	vmul.f32 v25, v9;
	v7 =	vadd.f32 v28, v7;
	v3 =	vadd.f32 v3, v2  }
0x1f5: {  	v36 =	vunpack.i.l.bf16.f32 v19;
	v39 =	vunpack.i.l.bf16.f32 v15;
	v15 =	vunpack.i.u.bf16.f32 v15;
	v12 =	vld.idx.msk [tilespmem:v13+s12+$0x0], $0xffff  }
0x1f6: {  	v61 =	vmul.f32 v38, v37;
	v13 =	vld.idx.msk [tilespmem:v13+s13+$0x0], $0xffff;
	v7 =	vadd.f32 v60, v7;
	v9 =	vadd.f32 v9, v3  }
0x1f7: {  	v17 =	vunpack.i.u.bf16.f32 v17;
	v19 =	vunpack.i.u.bf16.f32 v19;
	v62 =	vmul.f32 v39, v34;
	v2 =	vld.idx.msk [tilespmem:v24+s12+$0x0], $0xffff  }
0x1f8: {  	v3 =	vld.idx.msk [tilespmem:v24+s13+$0x0], $0xffff;
	v25 =	vadd.f32 v61, v7;
	v9 =	vadd.f32 v11, v9;
	v11 =	vmul.f32 v15, v20  }
0x1f9: {  	v32 =	vunpack.i.l.bf16.f32 v16;
	v33 =	vunpack.i.l.bf16.f32 v22;
	v17 =	vmul.f32 v19, v17;
	v15 =	vld.idx.msk [tilespmem:v23+s13+$0x0], $0xffff  }
0x1fa: {  	v20 =	vmul.f32 v36, v35;
	v7 =	vld.idx.msk [tilespmem:v21+s12+$0x0], $0xffff;
	v23 =	vadd.f32 v62, v25;
	v11 =	vadd.f32 v11, v9  }
0x1fb: {  	v63 =	vunpack.i.u.bf16.f32 v16;
	v16 =	vmul.f32 v32, v31;
	v9 =	vld.idx.msk [tilespmem:v21+s13+$0x0], $0xffff;
	v21 =	vunpack.i.u.bf16.f32 v10  }
0x1fc: {  	v10 =	vld.idx.msk [tilespmem:v26+s12+$0x0], $0xffff;
	v19 =	vadd.f32 v20, v23;
	v17 =	vadd.f32 v17, v11;
	v20 =	vmul.f32 v63, v21  }
0x1fd: {  	s18 =	simm.s32 $0x6;
	v22 =	vunpack.i.u.bf16.f32 v22;
	v11 =	vld.idx.msk [tilespmem:v26+s13+$0x0], $0xffff;
	v21 =	vunpack.i.u.bf16.f32 v18;
	v18 =	vmul.f32 v33, v30  }
.LBB2_22:
0x1fe: {  	p0 =	sne.s32 s18, $0x1;
	v23 =	vld.idx.msk [tilespmem:v8+s12+$0x0], $0xffff;
	v16 =	vadd.f32 v16, v19;
	v17 =	vadd.f32 v20, v17;
	v19 =	vmul.f32 v22, v21  }
0x1ff: {  	v4 =	vadd.s32 $0x8, v4;
	v21 =	vmov v14;
	v22 =	vmov v15;
	v20 =	vld.idx.msk [tilespmem:v8+s13+$0x0], $0xffff  }
0x200: {  	v14 =	vadd.s32 v1, v4;
	v15 =	vld.idx.msk [tilespmem:v6+s12+$0x0], $0xffff;
	v16 =	vadd.f32 v18, v16;
	v17 =	vadd.f32 v19, v17  }
0x201: {  	v18 =	vor.u32 $0x5, v14;
	v19 =	vor.u32 $0x6, v14;
	v24 =	vor.u32 $0x7, v14;
	v25 =	vld.idx.msk [tilespmem:v6+s13+$0x0], $0xffff  }
0x202: {  	v8 =	vor.u32 $0x3, v14;
	v26 =	vor.u32 $0x4, v14;
	v6 =	vor.u32 $0x2, v14;
	v27 =	vld.idx.msk [tilespmem:v5+s12+$0x0], $0xffff  }
0x203: {  	v28 =	vunpack.i.u.bf16.f32 v12;
	v12 =	vunpack.i.l.bf16.f32 v12;
	v29 =	vld.idx.msk [tilespmem:v5+s13+$0x0], $0xffff;
	v5 =	vor.u32 $0x1, v14  }
0x204: {  	v30 =	vunpack.i.u.bf16.f32 v13;
	v13 =	vunpack.i.l.bf16.f32 v13;
	v31 =	vunpack.i.l.bf16.f32 v2  }
0x205: {  	v34 =	vunpack.i.l.bf16.f32 v3;
	v32 =	vunpack.i.l.bf16.f32 v21;
	v33 =	vunpack.i.l.bf16.f32 v22  }
0x206: {  	v36 =	vunpack.i.l.bf16.f32 v7;
	v37 =	vunpack.i.l.bf16.f32 v9;
	v35 =	vunpack.i.l.bf16.f32 v10  }
0x207: {  	v40 =	vunpack.i.l.bf16.f32 v11;
	v38 =	vunpack.i.l.bf16.f32 v23;
	v39 =	vunpack.i.l.bf16.f32 v20  }
0x208: {  	v42 =	vunpack.i.l.bf16.f32 v15;
	v43 =	vunpack.i.l.bf16.f32 v25;
	v41 =	vunpack.i.l.bf16.f32 v27  }
0x209: {  	v12 =	vmul.f32 v13, v12;
	v13 =	vmul.f32 v30, v28;
	v28 =	vunpack.i.l.bf16.f32 v29  }
0x20a: {  	v27 =	vunpack.i.u.bf16.f32 v27;
	v29 =	vunpack.i.u.bf16.f32 v29;
	v28 =	vmul.f32 v28, v41  }
0x20b: {  	v16 =	vadd.f32 v12, v16;
	v13 =	vadd.f32 v13, v17;
	v17 =	vmul.f32 v29, v27  }
0x20c: {  	v15 =	vunpack.i.u.bf16.f32 v15;
	v25 =	vunpack.i.u.bf16.f32 v25;
	v27 =	vmul.f32 v43, v42  }
0x20d: {  	v15 =	vmul.f32 v25, v15;
	v16 =	vadd.f32 v28, v16;
	v17 =	vadd.f32 v17, v13;
	v12 =	vld.idx.msk [tilespmem:v14+s12+$0x0], $0xffff  }
0x20e: {  	v20 =	vunpack.i.u.bf16.f32 v20;
	v13 =	vld.idx.msk [tilespmem:v14+s13+$0x0], $0xffff;
	v14 =	vunpack.i.u.bf16.f32 v23;
	v23 =	vmul.f32 v39, v38  }
0x20f: {  	v16 =	vadd.f32 v27, v16;
	v15 =	vadd.f32 v15, v17;
	v25 =	vld.idx.msk [tilespmem:v24+s12+$0x0], $0xffff;
	v17 =	vmul.f32 v20, v14  }
0x210: {  	v10 =	vunpack.i.u.bf16.f32 v10;
	v11 =	vunpack.i.u.bf16.f32 v11;
	v20 =	vmul.f32 v40, v35;
	v24 =	vld.idx.msk [tilespmem:v24+s13+$0x0], $0xffff  }
0x211: {  	v10 =	vmul.f32 v11, v10;
	v16 =	vadd.f32 v23, v16;
	v14 =	vld.idx.msk [tilespmem:v19+s12+$0x0], $0xffff;
	v17 =	vadd.f32 v17, v15  }
.Ltmp10:
0x212: {  	v9 =	vunpack.i.u.bf16.f32 v9;
	v11 =	vunpack.i.u.bf16.f32 v7;
	v15 =	vld.idx.msk [tilespmem:v19+s13+$0x0], $0xffff;
	v19 =	vmul.f32 v37, v36;
	(pc) =	sbr.rel @p0 .LBB2_22-.Ltmp10, $4  }
0x213: {  	v11 =	vmul.f32 v9, v11;
	v20 =	vadd.f32 v20, v16;
	v7 =	vld.idx.msk [tilespmem:v18+s12+$0x0], $0xffff;
	v17 =	vadd.f32 v10, v17  }
0x214: {  	v16 =	vmul.f32 v33, v32;
	v9 =	vld.idx.msk [tilespmem:v18+s13+$0x0], $0xffff;
	v18 =	vunpack.i.u.bf16.f32 v21;
	v21 =	vunpack.i.u.bf16.f32 v22  }
0x215: {  	v19 =	vadd.f32 v19, v20;
	v10 =	vld.idx.msk [tilespmem:v26+s12+$0x0], $0xffff;
	v17 =	vadd.f32 v11, v17;
	v20 =	vmul.f32 v21, v18  }
0x216: {  	s18 =	sadd.s32 $0xFFFFFFFF, s18;
	v22 =	vunpack.i.u.bf16.f32 v3;
	v21 =	vunpack.i.u.bf16.f32 v2;
	v18 =	vmul.f32 v34, v31;
	v2 =	vmovc v25;
	v3 =	vmovc v24;
	v11 =	vld.idx.msk [tilespmem:v26+s13+$0x0], $0xffff  }
0x217: {  	_ =	sdelay $0x3  }
0x218: {  	v1 =	vld.idx.msk [tilespmem:v8+s12+$0x0], $0xffff;
	v4 =	vadd.f32 v16, v19;
	v61 =	vadd.f32 v20, v17;
	v62 =	vmul.f32 v22, v21  }
0x219: {  	v60 =	vld.idx.msk [tilespmem:v8+s13+$0x0], $0xffff;
	v38 =	vunpack.i.u.bf16.f32 v12;
	v39 =	vunpack.i.l.bf16.f32 v12;
	v41 =	vunpack.i.u.bf16.f32 v13  }
0x21a: {  	v63 =	vld.idx.msk [tilespmem:v6+s12+$0x0], $0xffff;
	v42 =	vunpack.i.l.bf16.f32 v13;
	v43 =	vunpack.i.l.bf16.f32 v2;
	v44 =	vunpack.i.l.bf16.f32 v14  }
0x21b: {  	v37 =	vld.idx.msk [tilespmem:v5+s12+$0x0], $0xffff;
	v23 =	vunpack.i.l.bf16.f32 v15;
	v24 =	vunpack.i.l.bf16.f32 v3;
	v59 =	vunpack.i.u.bf16.f32 v14  }
0x21c: {  	v40 =	vld.idx.msk [tilespmem:v5+s13+$0x0], $0xffff;
	v2 =	vunpack.i.u.bf16.f32 v2;
	v26 =	vunpack.i.l.bf16.f32 v7;
	v12 =	vmul.f32 v42, v39  }
0x21d: {  	v36 =	vld.idx.msk [tilespmem:v6+s13+$0x0], $0xffff;
	v45 =	vmul.f32 v41, v38;
	v4 =	vadd.f32 v18, v4;
	v16 =	vadd.f32 v62, v61  }
0x21e: {  	v27 =	vunpack.i.l.bf16.f32 v9;
	v25 =	vunpack.i.l.bf16.f32 v10;
	v30 =	vunpack.i.l.bf16.f32 v11  }
0x21f: {  	v4 =	vadd.f32 v12, v4;
	v47 =	vadd.f32 v45, v16;
	v28 =	vunpack.i.l.bf16.f32 v1  }
0x220: {  	v29 =	vunpack.i.l.bf16.f32 v60;
	v31 =	vunpack.i.l.bf16.f32 v37;
	v32 =	vunpack.i.l.bf16.f32 v63  }
0x221: {  	v46 =	vunpack.i.l.bf16.f32 v40;
	v17 =	vunpack.i.u.bf16.f32 v37;
	v5 =	vunpack.i.u.bf16.f32 v40  }
0x222: {  	v33 =	vunpack.i.l.bf16.f32 v36;
	v18 =	vmul.f32 v46, v31;
	v5 =	vmul.f32 v5, v17  }
0x223: {  	v48 =	vunpack.i.u.bf16.f32 v63;
	v6 =	vunpack.i.u.bf16.f32 v36;
	v49 =	vmul.f32 v33, v32  }
0x224: {  	v6 =	vmul.f32 v6, v48;
	v4 =	vadd.f32 v18, v4;
	v5 =	vadd.f32 v5, v47  }
0x225: {  	v1 =	vunpack.i.u.bf16.f32 v1;
	v8 =	vunpack.i.u.bf16.f32 v60;
	v50 =	vmul.f32 v29, v28  }
0x226: {  	v1 =	vmul.f32 v8, v1;
	v4 =	vadd.f32 v49, v4;
	v5 =	vadd.f32 v6, v5  }
0x227: {  	v51 =	vunpack.i.u.bf16.f32 v10;
	v52 =	vunpack.i.u.bf16.f32 v11;
	v53 =	vmul.f32 v30, v25  }
0x228: {  	v54 =	vmul.f32 v52, v51;
	v4 =	vadd.f32 v50, v4;
	v1 =	vadd.f32 v1, v5  }
0x229: {  	v55 =	vunpack.i.u.bf16.f32 v7;
	v56 =	vunpack.i.u.bf16.f32 v9;
	v57 =	vmul.f32 v27, v26  }
0x22a: {  	v58 =	vmul.f32 v56, v55;
	v4 =	vadd.f32 v53, v4;
	v1 =	vadd.f32 v54, v1  }
0x22b: {  	v3 =	vunpack.i.u.bf16.f32 v3;
	v61 =	vmul.f32 v23, v44;
	v60 =	vunpack.i.u.bf16.f32 v15  }
0x22c: {  	v62 =	vmul.f32 v60, v59;
	v4 =	vadd.f32 v57, v4;
	v1 =	vadd.f32 v58, v1  }
0x22d: {  	v2 =	vmul.f32 v3, v2  }
0x22e: {  	s16 =	sadd.s32 $0x1, s16;
	v63 =	vmul.f32 v24, v43;
	v4 =	vadd.f32 v61, v4;
	v1 =	vadd.f32 v62, v1  }
0x22f: {  	p0 =	sne.s32 s16, $0x5  }
.Ltmp11:
0x230: {  	v3 =	vadd.f32 v63, v4;
	v1 =	vadd.f32 v2, v1;
	(pc) =	sbr.rel @p0 .LBB2_21-.Ltmp11, $3  }
0x231: {  	_ = 	snop  }
0x232: {  	v1 =	vadd.f32 v1, v3;
	_ =	sdelay $0x1  }
0x233: {  	[tilespmem:s17+$0x74E0] =	vst v1  }
0x234: {  	s15 =	sadd.s32 $0x1, s15  }
0x235: {  	p0 =	sne.s32 s15, s8  }
.Ltmp12:
0x236: {  	_ = 	snop;
	(pc) =	sbr.rel @p0 .LBB2_1-.Ltmp12, $4  }
0x237: {  	[hbm4b:s7+s2] =	stream.linear.scatter [tilespmem:s14], [sflag:$0x9], $0x2710, $0x38;
	[tilespmem:$0x11530] =	vst v63  }
0x238: {  	_ =	swait.ge [sflag:s9], $0x2710  }
0x239: {  	[sflag:s9] =	ssyncset.done $0x0  }
0x23a: {  	[sflag:s9] =	ssyncadd.s32 $0xFFFFD8F0  }
0x23b: {  	_ =	sfence.sel $0x180000  }
0x23c: {  	[bflag:$0x0] =	sbarrier.arrive $0xFFFF  }
0x23d: {  	_ =	strace $0x90000047  }
0x23e: {  	s0 =	stileid.u32;
	[bflag:$0x2] =	sbarrier.arrive $0xFFFF  }
0x23f: {  	p0 =	sne.s32 s0, $0x0;
	s0 =	rddreg [dreg:$0x4]  }
0x240: {  	s0 =	sadd.s32 @!p0 $0x100000, s0  }
0x241: {  	[sflag:s0] =	ssyncadd.tile.s32 @!p0 $0x1;
	_ =	shalt  }
.Lfunc_end2:
_tile_overlayer_lowered:
.L_overlay_start_2:
0x242: {  	(tag) =	ssettag $0x2  }
0x243: {  	s0 =	rddreg [dreg:$0x0];
	s2 =	stileid.u32  }
0x244: {  	s1 =	rddreg [dreg:$0x1];
	p0 =	sne.s32 s2, $0x0  }
0x245: {  	s3 =	rddreg [dreg:$0x2];
	[bflag:$0x3] =	sbarrier.arrive $0xFFFF;
	s2 =	simm.s32 @!p0 $0x1C09  }
0x246: {  	[timem:s3], [sflag:s2] =	dma.local @!p0 [hbm:s0], s1  }
0x247: {  	s0 =	simm.s32 @!p0 $0x9  }
0x248: {  	_ =	swait.ge @!p0 [sflag:s0], s1  }
0x249: {  	s1 =	ssub.s32 @!p0 $0x0, s1;
	[sflag:s0] =	ssyncset.done @!p0 $0x0  }
0x24a: {  	[sflag:s0] =	ssyncadd.s32 @!p0 s1  }
0x24b: {  	[bflag:$0x3] =	sbarrier.arrive $0xFFFF  }
0x24c: {  	_ =	shalt  }

</sc_bundles>
